<compile_context>
chip_gen: v7x
topology: tpu7x:2x2x1
jax: 0.10.2.dev20260603
libtpu: 0.0.44.dev20260713+nightly
codegen_flags: <defaults>
</compile_context>

<pallas_src>
import jax
import jax.numpy as jnp
from jax import lax
from jax.experimental import pallas as pl
from jax.experimental.pallas import tpu as pltpu
from jax.experimental.pallas import tpu_sc as plsc

EPS = 1e-06
K_VAR = 1.0
LAMBDA_PERF = 1.0

N = 16384
FEAT_DIM = 128

_info = plsc.get_sparse_core_info()
_NC = _info.num_cores
_NS = _info.num_subcores
_NW = _NC * _NS
CHUNK = N // _NW


def _sc_body(teams_hbm, celebs_hbm, partners_hbm, obs_hbm,
             feats_hbm, theta_hbm, u_hbm, r_hbm, phi_hbm,
             ids_hbm, idd_hbm,
             teams_v, celebs_v, partners_v, obs_v,
             feats_v, theta_v, u_v, r_v, phi_v, ids_v, idd_v, sem):
    wid = lax.axis_index("s") * _NC + lax.axis_index("c")
    base = wid * CHUNK

    pltpu.sync_copy(teams_hbm.at[pl.ds(base, CHUNK)], teams_v)
    pltpu.sync_copy(celebs_hbm.at[pl.ds(base, CHUNK)], celebs_v)
    pltpu.sync_copy(partners_hbm.at[pl.ds(base, CHUNK)], partners_v)
    pltpu.sync_copy(obs_hbm.at[pl.ds(base, CHUNK)], obs_v)
    pltpu.sync_copy(phi_hbm.at[0], phi_v)

    pltpu.async_copy(feats_hbm.at[teams_v], feats_v, sem).wait()
    pltpu.async_copy(theta_hbm.at[celebs_v], theta_v, sem).wait()
    pltpu.async_copy(u_hbm.at[partners_v], u_v, sem).wait()
    pltpu.async_copy(r_hbm.at[obs_v], r_v, sem).wait()

    ph = [phi_v[pl.ds(k * 16, 16)] for k in range(FEAT_DIM // 16)]
    lane = lax.iota(jnp.int32, 16)
    onehot = [(lane == j).astype(jnp.float32) for j in range(16)]

    def group(g, carry):
        base16 = g * 16
        acc = theta_v[pl.ds(base16, 16)] + u_v[pl.ds(base16, 16)]
        for j in range(16):
            row = base16 + j
            pp = feats_v[row, pl.ds(0, 16)] * ph[0]
            for k in range(1, FEAT_DIM // 16):
                pp = pp + feats_v[row, pl.ds(k * 16, 16)] * ph[k]
            acc = acc + jnp.sum(pp) * onehot[j]
        ids_v[pl.ds(base16, 16)] = acc
        idd_v[pl.ds(base16, 16)] = acc + r_v[pl.ds(base16, 16)]
        return carry

    lax.fori_loop(0, CHUNK // 16, group, 0)

    pltpu.sync_copy(ids_v, ids_hbm.at[pl.ds(base, CHUNK)])
    pltpu.sync_copy(idd_v, idd_hbm.at[pl.ds(base, CHUNK)])


_sc_gather = pl.kernel(
    _sc_body,
    mesh=plsc.VectorSubcoreMesh(core_axis_name="c", subcore_axis_name="s"),
    compiler_params=pltpu.CompilerParams(needs_layout_passes=False),
    out_type=[jax.ShapeDtypeStruct((N,), jnp.float32),
              jax.ShapeDtypeStruct((N,), jnp.float32)],
    scratch_types=[
        pltpu.VMEM((CHUNK,), jnp.int32),
        pltpu.VMEM((CHUNK,), jnp.int32),
        pltpu.VMEM((CHUNK,), jnp.int32),
        pltpu.VMEM((CHUNK,), jnp.int32),
        pltpu.VMEM((CHUNK, FEAT_DIM), jnp.float32),
        pltpu.VMEM((CHUNK,), jnp.float32),
        pltpu.VMEM((CHUNK,), jnp.float32),
        pltpu.VMEM((CHUNK,), jnp.float32),
        pltpu.VMEM((FEAT_DIM,), jnp.float32),
        pltpu.VMEM((CHUNK,), jnp.float32),
        pltpu.VMEM((CHUNK,), jnp.float32),
        pltpu.SemaphoreType.DMA,
    ],
)


def _tc_body(ids_ref, idd_ref, zj_ref, dzj_ref, jp_ref, beta_ref,
             p_ref, st_ref, alpha_ref):
    ids = ids_ref[...]
    jp = jp_ref[...]
    m_ids = jnp.mean(ids)
    sigma_fan2 = jnp.mean((ids - m_ids) ** 2)
    m_jp = jnp.mean(jp)
    sigma_judge2 = jnp.mean((jp - m_jp) ** 2)
    alpha = sigma_judge2 / (sigma_judge2 + K_VAR * sigma_fan2 + EPS)
    perf = beta_ref[0] * zj_ref[...] + beta_ref[1] * dzj_ref[...]
    eta = (1.0 - alpha) * idd_ref[...] + alpha * LAMBDA_PERF * perf
    mx = jnp.max(eta)
    e = jnp.exp(eta - mx)
    p = e / jnp.sum(e)
    p_ref[...] = p
    st_ref[...] = jp + p
    alpha_ref[...] = jnp.reshape(alpha, (1, 1))


def kernel(celebrities, partners, teams, obs_ids, zj, dzj, j_pct, rj,
           all_feats, theta_w, u_w, phi_w, r_w, beta):
    id_static, id_dyn = _sc_gather(
        teams, celebrities, partners, obs_ids,
        all_feats, theta_w.reshape(-1), u_w.reshape(-1), r_w.reshape(-1),
        phi_w)

    shape2d = (N // 128, 128)
    p2, st2, alpha11 = pl.pallas_call(
        _tc_body,
        out_shape=[
            jax.ShapeDtypeStruct(shape2d, jnp.float32),
            jax.ShapeDtypeStruct(shape2d, jnp.float32),
            jax.ShapeDtypeStruct((1, 1), jnp.float32),
        ],
        in_specs=[
            pl.BlockSpec(memory_space=pltpu.VMEM),
            pl.BlockSpec(memory_space=pltpu.VMEM),
            pl.BlockSpec(memory_space=pltpu.VMEM),
            pl.BlockSpec(memory_space=pltpu.VMEM),
            pl.BlockSpec(memory_space=pltpu.VMEM),
            pl.BlockSpec(memory_space=pltpu.SMEM),
        ],
    )(id_static.reshape(shape2d), id_dyn.reshape(shape2d),
      zj.reshape(shape2d), dzj.reshape(shape2d), j_pct.reshape(shape2d),
      beta)

    return (p2.reshape(N), st2.reshape(N), alpha11.reshape(()), id_static)

# --- scband reference (transcript-rebuilt; emitter-appended) ---
"""Pipeline reference for scband-dwtsmodel-6760278523932 (READ-ONLY COPY).

The authoritative reference and input builder live on the scoring server;
editing this copy changes nothing except your own understanding.
"""

import jax, jax.numpy as jnp
import numpy as np

EPS = 1e-06
K_VAR = 1.0
LAMBDA_PERF = 1.0
SEASON = 10  # 3 <= season <= 27 -> simple s_total branch

N = 16384
NUM_CELEBS = 100000
NUM_PARTNERS = 100000
NUM_OBS = 1000000
FEAT_DIM = 128


def setup_inputs(seed: int = 0):
    key = jax.random.key(seed)
    ks = jax.random.split(key, 12)
    celebrities = jax.random.randint(ks[0], (N,), 0, NUM_CELEBS)
    partners = jax.random.randint(ks[1], (N,), 0, NUM_PARTNERS)
    teams = jax.random.randint(ks[2], (N,), 0, NUM_CELEBS)
    obs_ids = jax.random.randint(ks[3], (N,), 0, NUM_OBS)
    zj = jax.random.uniform(ks[4], (N,), dtype=jnp.float32)
    dzj = jax.random.normal(ks[5], (N,), dtype=jnp.float32)
    j_pct = jax.random.uniform(ks[6], (N,), dtype=jnp.float32)
    rj = jax.random.uniform(ks[7], (N,), dtype=jnp.float32)
    all_feats = jax.random.normal(ks[8], (NUM_CELEBS, FEAT_DIM), dtype=jnp.float32)
    theta_w = jax.random.normal(ks[9], (NUM_CELEBS, 1), dtype=jnp.float32) * 0.01
    u_w = jax.random.normal(ks[10], (NUM_PARTNERS, 1), dtype=jnp.float32) * 0.01
    phi_w = jax.random.normal(ks[11], (1, FEAT_DIM), dtype=jnp.float32) * 0.01
    r_w = jnp.zeros((NUM_OBS, 1), jnp.float32)
    beta = jnp.ones((2,), jnp.float32)  # beta_center = 1.0
    return {
        'celebrities': celebrities, 'partners': partners, 'teams': teams,
        'obs_ids': obs_ids, 'zj': zj, 'dzj': dzj, 'j_pct': j_pct, 'rj': rj,
        'all_feats': all_feats, 'theta_w': theta_w, 'u_w': u_w,
        'phi_w': phi_w, 'r_w': r_w, 'beta': beta,
    }


def reference(celebrities, partners, teams, obs_ids, zj, dzj, j_pct, rj,
              all_feats, theta_w, u_w, phi_w, r_w, beta):
    # embedding lookups (SparseCore gathers)
    theta_base = jnp.take(theta_w, celebrities, axis=0)[:, 0]
    u_base = jnp.take(u_w, partners, axis=0)[:, 0]
    feats = jnp.take(all_feats, teams, axis=0)
    phi_x = (feats @ phi_w.T)[:, 0]
    id_static = theta_base + u_base + phi_x
    # obs_idx.numel() == id_static.numel() -> random-walk shock lookup
    r_t = jnp.take(r_w, obs_ids, axis=0)[:, 0]
    id_dyn = id_static + r_t
    perf_in = beta[0] * zj + beta[1] * dzj
    sigma_fan2 = jnp.var(id_static)
    sigma_judge2 = jnp.var(j_pct)
    alpha = sigma_judge2 / (sigma_judge2 + K_VAR * sigma_fan2 + EPS)
    eta = (1.0 - alpha) * id_dyn + alpha * LAMBDA_PERF * perf_in
    # dropout_p = 0.0 -> no dropout applied
    p_fan = jax.nn.softmax(eta, axis=0)
    # 3 <= SEASON <= 27
    s_total = j_pct + p_fan
    return (p_fan, s_total, alpha, id_static)

if __name__ == "__main__":
    import jax
    _d = setup_inputs()
    print(jax.jit(kernel)(*tuple(_d.values())))

</pallas_src>

<mosaic_0001>
#map = affine_map<(d0, d1) -> (0)>
#map1 = affine_map<(d0, d1) -> (0, 0)>
module attributes {stable_mosaic.version = 14 : i64} {
  func.func @_sc_body(%arg0: i32, %arg1: i32, %arg2: memref<16384xi32, #tpu.memory_space<hbm>>, %arg3: memref<16384xi32, #tpu.memory_space<hbm>>, %arg4: memref<16384xi32, #tpu.memory_space<hbm>>, %arg5: memref<16384xi32, #tpu.memory_space<hbm>>, %arg6: memref<100000x128xf32, #tpu.memory_space<hbm>>, %arg7: memref<100000xf32, #tpu.memory_space<hbm>>, %arg8: memref<100000xf32, #tpu.memory_space<hbm>>, %arg9: memref<1000000xf32, #tpu.memory_space<hbm>>, %arg10: memref<1x128xf32, #tpu.memory_space<hbm>>, %arg11: memref<16384xf32, #tpu.memory_space<hbm>>, %arg12: memref<16384xf32, #tpu.memory_space<hbm>>, %arg13: memref<512xi32, #tpu.memory_space<vmem>>, %arg14: memref<512xi32, #tpu.memory_space<vmem>>, %arg15: memref<512xi32, #tpu.memory_space<vmem>>, %arg16: memref<512xi32, #tpu.memory_space<vmem>>, %arg17: memref<512x128xf32, #tpu.memory_space<vmem>>, %arg18: memref<512xf32, #tpu.memory_space<vmem>>, %arg19: memref<512xf32, #tpu.memory_space<vmem>>, %arg20: memref<512xf32, #tpu.memory_space<vmem>>, %arg21: memref<128xf32, #tpu.memory_space<vmem>>, %arg22: memref<512xf32, #tpu.memory_space<vmem>>, %arg23: memref<512xf32, #tpu.memory_space<vmem>>, %arg24: memref<!tpu.dma_semaphore, #tpu.memory_space<semaphore_mem>>) attributes {dimension_semantics = [#tpu.dimension_semantics<core_parallel>, #tpu.dimension_semantics<subcore_parallel>], iteration_bounds = array<i64: 2, 16>, scalar_prefetch = 0 : i64, scratch_operands = 12 : i64, tpu.core_type = #tpu.core_type<sc_vector_subcore>, window_params = [{transform_indices = #map}, {transform_indices = #map}, {transform_indices = #map}, {transform_indices = #map}, {transform_indices = #map1}, {transform_indices = #map}, {transform_indices = #map}, {transform_indices = #map}, {transform_indices = #map1}, {transform_indices = #map}, {transform_indices = #map}]} {
    %mul3A = arith.constant 2 : i32
    %mul3A_0 = arith.muli %arg1, %mul3A : i32
    %add3A = arith.addi %mul3A_0, %arg0 : i32
    %mul3A_1 = arith.constant 512 : i32
    %mul3A_2 = arith.muli %add3A, %mul3A_1 : i32
    "tpu.region"() ({
      %run_scoped3A_117 = tpu.sem_alloc : memref<!tpu.dma_semaphore, #tpu.memory_space<semaphore_mem>>
      %dma_start3A_118 = tpu.memref_slice %arg2[%mul3A_2] : memref<16384xi32, #tpu.memory_space<hbm>> -> memref<512xi32, #tpu.memory_space<hbm>>
      %dma_start3A_119 = tpu.memref_slice %arg2[%mul3A_2] : memref<16384xi32, #tpu.memory_space<hbm>> -> memref<512xi32, #tpu.memory_space<hbm>>
      tpu.enqueue_dma source(%dma_start3A_119 : memref<512xi32, #tpu.memory_space<hbm>>) target(%arg13 : memref<512xi32, #tpu.memory_space<vmem>>) target_semaphore(%run_scoped3A_117 : memref<!tpu.dma_semaphore, #tpu.memory_space<semaphore_mem>>)
      %dma_wait3A_120 = tpu.memref_slice %arg2[%mul3A_2] : memref<16384xi32, #tpu.memory_space<hbm>> -> memref<512xi32, #tpu.memory_space<hbm>>
      %dma_wait3A_121 = tpu.memref_slice %arg2[%mul3A_2] : memref<16384xi32, #tpu.memory_space<hbm>> -> memref<512xi32, #tpu.memory_space<hbm>>
      tpu.wait_dma2 semaphore(%run_scoped3A_117 : memref<!tpu.dma_semaphore, #tpu.memory_space<semaphore_mem>>) src(%dma_wait3A_121 : memref<512xi32, #tpu.memory_space<hbm>>) dst(%arg13 : memref<512xi32, #tpu.memory_space<vmem>>)
      tpu.yield
    }) : () -> ()
    "tpu.region"() ({
      %run_scoped3A_117 = tpu.sem_alloc : memref<!tpu.dma_semaphore, #tpu.memory_space<semaphore_mem>>
      %dma_start3A_118 = tpu.memref_slice %arg3[%mul3A_2] : memref<16384xi32, #tpu.memory_space<hbm>> -> memref<512xi32, #tpu.memory_space<hbm>>
      %dma_start3A_119 = tpu.memref_slice %arg3[%mul3A_2] : memref<16384xi32, #tpu.memory_space<hbm>> -> memref<512xi32, #tpu.memory_space<hbm>>
      tpu.enqueue_dma source(%dma_start3A_119 : memref<512xi32, #tpu.memory_space<hbm>>) target(%arg14 : memref<512xi32, #tpu.memory_space<vmem>>) target_semaphore(%run_scoped3A_117 : memref<!tpu.dma_semaphore, #tpu.memory_space<semaphore_mem>>)
      %dma_wait3A_120 = tpu.memref_slice %arg3[%mul3A_2] : memref<16384xi32, #tpu.memory_space<hbm>> -> memref<512xi32, #tpu.memory_space<hbm>>
      %dma_wait3A_121 = tpu.memref_slice %arg3[%mul3A_2] : memref<16384xi32, #tpu.memory_space<hbm>> -> memref<512xi32, #tpu.memory_space<hbm>>
      tpu.wait_dma2 semaphore(%run_scoped3A_117 : memref<!tpu.dma_semaphore, #tpu.memory_space<semaphore_mem>>) src(%dma_wait3A_121 : memref<512xi32, #tpu.memory_space<hbm>>) dst(%arg14 : memref<512xi32, #tpu.memory_space<vmem>>)
      tpu.yield
    }) : () -> ()
    "tpu.region"() ({
      %run_scoped3A_117 = tpu.sem_alloc : memref<!tpu.dma_semaphore, #tpu.memory_space<semaphore_mem>>
      %dma_start3A_118 = tpu.memref_slice %arg4[%mul3A_2] : memref<16384xi32, #tpu.memory_space<hbm>> -> memref<512xi32, #tpu.memory_space<hbm>>
      %dma_start3A_119 = tpu.memref_slice %arg4[%mul3A_2] : memref<16384xi32, #tpu.memory_space<hbm>> -> memref<512xi32, #tpu.memory_space<hbm>>
      tpu.enqueue_dma source(%dma_start3A_119 : memref<512xi32, #tpu.memory_space<hbm>>) target(%arg15 : memref<512xi32, #tpu.memory_space<vmem>>) target_semaphore(%run_scoped3A_117 : memref<!tpu.dma_semaphore, #tpu.memory_space<semaphore_mem>>)
      %dma_wait3A_120 = tpu.memref_slice %arg4[%mul3A_2] : memref<16384xi32, #tpu.memory_space<hbm>> -> memref<512xi32, #tpu.memory_space<hbm>>
      %dma_wait3A_121 = tpu.memref_slice %arg4[%mul3A_2] : memref<16384xi32, #tpu.memory_space<hbm>> -> memref<512xi32, #tpu.memory_space<hbm>>
      tpu.wait_dma2 semaphore(%run_scoped3A_117 : memref<!tpu.dma_semaphore, #tpu.memory_space<semaphore_mem>>) src(%dma_wait3A_121 : memref<512xi32, #tpu.memory_space<hbm>>) dst(%arg15 : memref<512xi32, #tpu.memory_space<vmem>>)
      tpu.yield
    }) : () -> ()
    "tpu.region"() ({
      %run_scoped3A_117 = tpu.sem_alloc : memref<!tpu.dma_semaphore, #tpu.memory_space<semaphore_mem>>
      %dma_start3A_118 = tpu.memref_slice %arg5[%mul3A_2] : memref<16384xi32, #tpu.memory_space<hbm>> -> memref<512xi32, #tpu.memory_space<hbm>>
      %dma_start3A_119 = tpu.memref_slice %arg5[%mul3A_2] : memref<16384xi32, #tpu.memory_space<hbm>> -> memref<512xi32, #tpu.memory_space<hbm>>
      tpu.enqueue_dma source(%dma_start3A_119 : memref<512xi32, #tpu.memory_space<hbm>>) target(%arg16 : memref<512xi32, #tpu.memory_space<vmem>>) target_semaphore(%run_scoped3A_117 : memref<!tpu.dma_semaphore, #tpu.memory_space<semaphore_mem>>)
      %dma_wait3A_120 = tpu.memref_slice %arg5[%mul3A_2] : memref<16384xi32, #tpu.memory_space<hbm>> -> memref<512xi32, #tpu.memory_space<hbm>>
      %dma_wait3A_121 = tpu.memref_slice %arg5[%mul3A_2] : memref<16384xi32, #tpu.memory_space<hbm>> -> memref<512xi32, #tpu.memory_space<hbm>>
      tpu.wait_dma2 semaphore(%run_scoped3A_117 : memref<!tpu.dma_semaphore, #tpu.memory_space<semaphore_mem>>) src(%dma_wait3A_121 : memref<512xi32, #tpu.memory_space<hbm>>) dst(%arg16 : memref<512xi32, #tpu.memory_space<vmem>>)
      tpu.yield
    }) : () -> ()
    %run_scoped3A = arith.constant 0 : i32
    "tpu.region"() ({
      %run_scoped3A_117 = tpu.sem_alloc : memref<!tpu.dma_semaphore, #tpu.memory_space<semaphore_mem>>
      %dma_start3A_118 = arith.constant 0 : i32
      %dma_start3A_119 = tpu.memref_slice %arg10[%run_scoped3A, %dma_start3A_118] : memref<1x128xf32, #tpu.memory_space<hbm>> -> memref<1x128xf32, #tpu.memory_space<hbm>>
      %dma_start3A_120 = tpu.memref_squeeze %dma_start3A_119 : memref<1x128xf32, #tpu.memory_space<hbm>> -> memref<128xf32, #tpu.memory_space<hbm>>
      %dma_start3A_121 = arith.constant 0 : i32
      %dma_start3A_122 = tpu.memref_slice %arg10[%run_scoped3A, %dma_start3A_121] : memref<1x128xf32, #tpu.memory_space<hbm>> -> memref<1x128xf32, #tpu.memory_space<hbm>>
      %dma_start3A_123 = tpu.memref_squeeze %dma_start3A_122 : memref<1x128xf32, #tpu.memory_space<hbm>> -> memref<128xf32, #tpu.memory_space<hbm>>
      tpu.enqueue_dma source(%dma_start3A_123 : memref<128xf32, #tpu.memory_space<hbm>>) target(%arg21 : memref<128xf32, #tpu.memory_space<vmem>>) target_semaphore(%run_scoped3A_117 : memref<!tpu.dma_semaphore, #tpu.memory_space<semaphore_mem>>)
      %dma_wait3A_124 = arith.constant 0 : i32
      %dma_wait3A_125 = tpu.memref_slice %arg10[%run_scoped3A, %dma_wait3A_124] : memref<1x128xf32, #tpu.memory_space<hbm>> -> memref<1x128xf32, #tpu.memory_space<hbm>>
      %dma_wait3A_126 = tpu.memref_squeeze %dma_wait3A_125 : memref<1x128xf32, #tpu.memory_space<hbm>> -> memref<128xf32, #tpu.memory_space<hbm>>
      %dma_wait3A_127 = arith.constant 0 : i32
      %dma_wait3A_128 = tpu.memref_slice %arg10[%run_scoped3A, %dma_wait3A_127] : memref<1x128xf32, #tpu.memory_space<hbm>> -> memref<1x128xf32, #tpu.memory_space<hbm>>
      %dma_wait3A_129 = tpu.memref_squeeze %dma_wait3A_128 : memref<1x128xf32, #tpu.memory_space<hbm>> -> memref<128xf32, #tpu.memory_space<hbm>>
      tpu.wait_dma2 semaphore(%run_scoped3A_117 : memref<!tpu.dma_semaphore, #tpu.memory_space<semaphore_mem>>) src(%dma_wait3A_129 : memref<128xf32, #tpu.memory_space<hbm>>) dst(%arg21 : memref<128xf32, #tpu.memory_space<vmem>>)
      tpu.yield
    }) : () -> ()
    %dma_start3A = arith.constant 0 : i32
    %dma_start3A_3 = arith.constant 0 : i32
    %dma_start3A_4 = tpu.memref_slice %arg6[%dma_start3A, %dma_start3A_3] : memref<100000x128xf32, #tpu.memory_space<hbm>> -> memref<100000x128xf32, #tpu.memory_space<hbm>>
    tpu.enqueue_indirect_dma source(%dma_start3A_4 : memref<100000x128xf32, #tpu.memory_space<hbm>>) target(%arg17 : memref<512x128xf32, #tpu.memory_space<vmem>>) offsets(%arg13 : memref<512xi32, #tpu.memory_space<vmem>>) semaphore(%arg24 : memref<!tpu.dma_semaphore, #tpu.memory_space<semaphore_mem>>)
    %dma_wait3A = arith.constant 0 : i32
    %dma_wait3A_5 = arith.constant 0 : i32
    %dma_wait3A_6 = tpu.memref_slice %arg6[%dma_wait3A, %dma_wait3A_5] : memref<100000x128xf32, #tpu.memory_space<hbm>> -> memref<100000x128xf32, #tpu.memory_space<hbm>>
    tpu.wait_indirect_dma semaphore(%arg24 : memref<!tpu.dma_semaphore, #tpu.memory_space<semaphore_mem>>) src(%dma_wait3A_6 : memref<100000x128xf32, #tpu.memory_space<hbm>>) dst(%arg17 : memref<512x128xf32, #tpu.memory_space<vmem>>)
    %dma_start3A_7 = arith.constant 0 : i32
    %dma_start3A_8 = tpu.memref_slice %arg7[%dma_start3A_7] : memref<100000xf32, #tpu.memory_space<hbm>> -> memref<100000xf32, #tpu.memory_space<hbm>>
    tpu.enqueue_indirect_dma source(%dma_start3A_8 : memref<100000xf32, #tpu.memory_space<hbm>>) target(%arg18 : memref<512xf32, #tpu.memory_space<vmem>>) offsets(%arg14 : memref<512xi32, #tpu.memory_space<vmem>>) semaphore(%arg24 : memref<!tpu.dma_semaphore, #tpu.memory_space<semaphore_mem>>)
    %dma_wait3A_9 = arith.constant 0 : i32
    %dma_wait3A_10 = tpu.memref_slice %arg7[%dma_wait3A_9] : memref<100000xf32, #tpu.memory_space<hbm>> -> memref<100000xf32, #tpu.memory_space<hbm>>
    tpu.wait_indirect_dma semaphore(%arg24 : memref<!tpu.dma_semaphore, #tpu.memory_space<semaphore_mem>>) src(%dma_wait3A_10 : memref<100000xf32, #tpu.memory_space<hbm>>) dst(%arg18 : memref<512xf32, #tpu.memory_space<vmem>>)
    %dma_start3A_11 = arith.constant 0 : i32
    %dma_start3A_12 = tpu.memref_slice %arg8[%dma_start3A_11] : memref<100000xf32, #tpu.memory_space<hbm>> -> memref<100000xf32, #tpu.memory_space<hbm>>
    tpu.enqueue_indirect_dma source(%dma_start3A_12 : memref<100000xf32, #tpu.memory_space<hbm>>) target(%arg19 : memref<512xf32, #tpu.memory_space<vmem>>) offsets(%arg15 : memref<512xi32, #tpu.memory_space<vmem>>) semaphore(%arg24 : memref<!tpu.dma_semaphore, #tpu.memory_space<semaphore_mem>>)
    %dma_wait3A_13 = arith.constant 0 : i32
    %dma_wait3A_14 = tpu.memref_slice %arg8[%dma_wait3A_13] : memref<100000xf32, #tpu.memory_space<hbm>> -> memref<100000xf32, #tpu.memory_space<hbm>>
    tpu.wait_indirect_dma semaphore(%arg24 : memref<!tpu.dma_semaphore, #tpu.memory_space<semaphore_mem>>) src(%dma_wait3A_14 : memref<100000xf32, #tpu.memory_space<hbm>>) dst(%arg19 : memref<512xf32, #tpu.memory_space<vmem>>)
    %dma_start3A_15 = arith.constant 0 : i32
    %dma_start3A_16 = tpu.memref_slice %arg9[%dma_start3A_15] : memref<1000000xf32, #tpu.memory_space<hbm>> -> memref<1000000xf32, #tpu.memory_space<hbm>>
    tpu.enqueue_indirect_dma source(%dma_start3A_16 : memref<1000000xf32, #tpu.memory_space<hbm>>) target(%arg20 : memref<512xf32, #tpu.memory_space<vmem>>) offsets(%arg16 : memref<512xi32, #tpu.memory_space<vmem>>) semaphore(%arg24 : memref<!tpu.dma_semaphore, #tpu.memory_space<semaphore_mem>>)
    %dma_wait3A_17 = arith.constant 0 : i32
    %dma_wait3A_18 = tpu.memref_slice %arg9[%dma_wait3A_17] : memref<1000000xf32, #tpu.memory_space<hbm>> -> memref<1000000xf32, #tpu.memory_space<hbm>>
    tpu.wait_indirect_dma semaphore(%arg24 : memref<!tpu.dma_semaphore, #tpu.memory_space<semaphore_mem>>) src(%dma_wait3A_18 : memref<1000000xf32, #tpu.memory_space<hbm>>) dst(%arg20 : memref<512xf32, #tpu.memory_space<vmem>>)
    %get3A = arith.constant 0 : index
    %get3A_19 = tpu.vector_load %arg21[%get3A] {strides = array<i32>} : memref<128xf32, #tpu.memory_space<vmem>>, vector<16xf32>,
    %get3A_20 = arith.constant 16 : index
    %get3A_21 = tpu.vector_load %arg21[%get3A_20] {strides = array<i32>} : memref<128xf32, #tpu.memory_space<vmem>>, vector<16xf32>,
    %get3A_22 = arith.constant 32 : index
    %get3A_23 = tpu.vector_load %arg21[%get3A_22] {strides = array<i32>} : memref<128xf32, #tpu.memory_space<vmem>>, vector<16xf32>,
    %get3A_24 = arith.constant 48 : index
    %get3A_25 = tpu.vector_load %arg21[%get3A_24] {strides = array<i32>} : memref<128xf32, #tpu.memory_space<vmem>>, vector<16xf32>,
    %get3A_26 = arith.constant 64 : index
    %get3A_27 = tpu.vector_load %arg21[%get3A_26] {strides = array<i32>} : memref<128xf32, #tpu.memory_space<vmem>>, vector<16xf32>,
    %get3A_28 = arith.constant 80 : index
    %get3A_29 = tpu.vector_load %arg21[%get3A_28] {strides = array<i32>} : memref<128xf32, #tpu.memory_space<vmem>>, vector<16xf32>,
    %get3A_30 = arith.constant 96 : index
    %get3A_31 = tpu.vector_load %arg21[%get3A_30] {strides = array<i32>} : memref<128xf32, #tpu.memory_space<vmem>>, vector<16xf32>,
    %get3A_32 = arith.constant 112 : index
    %get3A_33 = tpu.vector_load %arg21[%get3A_32] {strides = array<i32>} : memref<128xf32, #tpu.memory_space<vmem>>, vector<16xf32>,
    %iota3A = tpu.iota {dimensions = array<i32: 0>} : vector<16xi32>
    %eq3A = arith.constant 0 : i32
    %eq3A_34 = vector.broadcast %eq3A : i32 to vector<16xi32>
    %eq3A_35 = arith.cmpi eq, %iota3A, %eq3A_34 : vector<16xi32>
    %convert_element_type3A = arith.extui %eq3A_35 : vector<16xi1> to vector<16xi32>
    %convert_element_type3A_36 = arith.sitofp %convert_element_type3A : vector<16xi32> to vector<16xf32>
    %eq3A_37 = arith.constant 1 : i32
    %eq3A_38 = vector.broadcast %eq3A_37 : i32 to vector<16xi32>
    %eq3A_39 = arith.cmpi eq, %iota3A, %eq3A_38 : vector<16xi32>
    %convert_element_type3A_40 = arith.extui %eq3A_39 : vector<16xi1> to vector<16xi32>
    %convert_element_type3A_41 = arith.sitofp %convert_element_type3A_40 : vector<16xi32> to vector<16xf32>
    %eq3A_42 = arith.constant 2 : i32
    %eq3A_43 = vector.broadcast %eq3A_42 : i32 to vector<16xi32>
    %eq3A_44 = arith.cmpi eq, %iota3A, %eq3A_43 : vector<16xi32>
    %convert_element_type3A_45 = arith.extui %eq3A_44 : vector<16xi1> to vector<16xi32>
    %convert_element_type3A_46 = arith.sitofp %convert_element_type3A_45 : vector<16xi32> to vector<16xf32>
    %eq3A_47 = arith.constant 3 : i32
    %eq3A_48 = vector.broadcast %eq3A_47 : i32 to vector<16xi32>
    %eq3A_49 = arith.cmpi eq, %iota3A, %eq3A_48 : vector<16xi32>
    %convert_element_type3A_50 = arith.extui %eq3A_49 : vector<16xi1> to vector<16xi32>
    %convert_element_type3A_51 = arith.sitofp %convert_element_type3A_50 : vector<16xi32> to vector<16xf32>
    %eq3A_52 = arith.constant 4 : i32
    %eq3A_53 = vector.broadcast %eq3A_52 : i32 to vector<16xi32>
    %eq3A_54 = arith.cmpi eq, %iota3A, %eq3A_53 : vector<16xi32>
    %convert_element_type3A_55 = arith.extui %eq3A_54 : vector<16xi1> to vector<16xi32>
    %convert_element_type3A_56 = arith.sitofp %convert_element_type3A_55 : vector<16xi32> to vector<16xf32>
    %eq3A_57 = arith.constant 5 : i32
    %eq3A_58 = vector.broadcast %eq3A_57 : i32 to vector<16xi32>
    %eq3A_59 = arith.cmpi eq, %iota3A, %eq3A_58 : vector<16xi32>
    %convert_element_type3A_60 = arith.extui %eq3A_59 : vector<16xi1> to vector<16xi32>
    %convert_element_type3A_61 = arith.sitofp %convert_element_type3A_60 : vector<16xi32> to vector<16xf32>
    %eq3A_62 = arith.constant 6 : i32
    %eq3A_63 = vector.broadcast %eq3A_62 : i32 to vector<16xi32>
    %eq3A_64 = arith.cmpi eq, %iota3A, %eq3A_63 : vector<16xi32>
    %convert_element_type3A_65 = arith.extui %eq3A_64 : vector<16xi1> to vector<16xi32>
    %convert_element_type3A_66 = arith.sitofp %convert_element_type3A_65 : vector<16xi32> to vector<16xf32>
    %eq3A_67 = arith.constant 7 : i32
    %eq3A_68 = vector.broadcast %eq3A_67 : i32 to vector<16xi32>
    %eq3A_69 = arith.cmpi eq, %iota3A, %eq3A_68 : vector<16xi32>
    %convert_element_type3A_70 = arith.extui %eq3A_69 : vector<16xi1> to vector<16xi32>
    %convert_element_type3A_71 = arith.sitofp %convert_element_type3A_70 : vector<16xi32> to vector<16xf32>
    %eq3A_72 = arith.constant 8 : i32
    %eq3A_73 = vector.broadcast %eq3A_72 : i32 to vector<16xi32>
    %eq3A_74 = arith.cmpi eq, %iota3A, %eq3A_73 : vector<16xi32>
    %convert_element_type3A_75 = arith.extui %eq3A_74 : vector<16xi1> to vector<16xi32>
    %convert_element_type3A_76 = arith.sitofp %convert_element_type3A_75 : vector<16xi32> to vector<16xf32>
    %eq3A_77 = arith.constant 9 : i32
    %eq3A_78 = vector.broadcast %eq3A_77 : i32 to vector<16xi32>
    %eq3A_79 = arith.cmpi eq, %iota3A, %eq3A_78 : vector<16xi32>
    %convert_element_type3A_80 = arith.extui %eq3A_79 : vector<16xi1> to vector<16xi32>
    %convert_element_type3A_81 = arith.sitofp %convert_element_type3A_80 : vector<16xi32> to vector<16xf32>
    %eq3A_82 = arith.constant 10 : i32
    %eq3A_83 = vector.broadcast %eq3A_82 : i32 to vector<16xi32>
    %eq3A_84 = arith.cmpi eq, %iota3A, %eq3A_83 : vector<16xi32>
    %convert_element_type3A_85 = arith.extui %eq3A_84 : vector<16xi1> to vector<16xi32>
    %convert_element_type3A_86 = arith.sitofp %convert_element_type3A_85 : vector<16xi32> to vector<16xf32>
    %eq3A_87 = arith.constant 11 : i32
    %eq3A_88 = vector.broadcast %eq3A_87 : i32 to vector<16xi32>
    %eq3A_89 = arith.cmpi eq, %iota3A, %eq3A_88 : vector<16xi32>
    %convert_element_type3A_90 = arith.extui %eq3A_89 : vector<16xi1> to vector<16xi32>
    %convert_element_type3A_91 = arith.sitofp %convert_element_type3A_90 : vector<16xi32> to vector<16xf32>
    %eq3A_92 = arith.constant 12 : i32
    %eq3A_93 = vector.broadcast %eq3A_92 : i32 to vector<16xi32>
    %eq3A_94 = arith.cmpi eq, %iota3A, %eq3A_93 : vector<16xi32>
    %convert_element_type3A_95 = arith.extui %eq3A_94 : vector<16xi1> to vector<16xi32>
    %convert_element_type3A_96 = arith.sitofp %convert_element_type3A_95 : vector<16xi32> to vector<16xf32>
    %eq3A_97 = arith.constant 13 : i32
    %eq3A_98 = vector.broadcast %eq3A_97 : i32 to vector<16xi32>
    %eq3A_99 = arith.cmpi eq, %iota3A, %eq3A_98 : vector<16xi32>
    %convert_element_type3A_100 = arith.extui %eq3A_99 : vector<16xi1> to vector<16xi32>
    %convert_element_type3A_101 = arith.sitofp %convert_element_type3A_100 : vector<16xi32> to vector<16xf32>
    %eq3A_102 = arith.constant 14 : i32
    %eq3A_103 = vector.broadcast %eq3A_102 : i32 to vector<16xi32>
    %eq3A_104 = arith.cmpi eq, %iota3A, %eq3A_103 : vector<16xi32>
    %convert_element_type3A_105 = arith.extui %eq3A_104 : vector<16xi1> to vector<16xi32>
    %convert_element_type3A_106 = arith.sitofp %convert_element_type3A_105 : vector<16xi32> to vector<16xf32>
    %eq3A_107 = arith.constant 15 : i32
    %eq3A_108 = vector.broadcast %eq3A_107 : i32 to vector<16xi32>
    %eq3A_109 = arith.cmpi eq, %iota3A, %eq3A_108 : vector<16xi32>
    %convert_element_type3A_110 = arith.extui %eq3A_109 : vector<16xi1> to vector<16xi32>
    %convert_element_type3A_111 = arith.sitofp %convert_element_type3A_110 : vector<16xi32> to vector<16xf32>
    %scan3A = arith.constant 0 : i32
    %scan3A_112 = arith.constant 0 : i32
    %scan3A_113 = arith.constant 32 : i32
    %scan3A_114 = arith.addi %scan3A_112, %scan3A_113 : i32
    %scan3A_115 = arith.constant 1 : i32
    scf.for %scan3A_117 = %scan3A_112 to %scan3A_114 step %scan3A_115  : i32 {
      %mul3A_118 = arith.constant 16 : i32
      %mul3A_119 = arith.muli %scan3A_117, %mul3A_118 : i32
      %get3A_120 = arith.index_cast %mul3A_119 : i32 to index
      %get3A_121 = tpu.vector_load %arg18[%get3A_120] {strides = array<i32>} : memref<512xf32, #tpu.memory_space<vmem>>, vector<16xf32>,
      %get3A_122 = arith.index_cast %mul3A_119 : i32 to index
      %get3A_123 = tpu.vector_load %arg19[%get3A_122] {strides = array<i32>} : memref<512xf32, #tpu.memory_space<vmem>>, vector<16xf32>,
      %add3A_124 = arith.addf %get3A_121, %get3A_123 : vector<16xf32>
      %add3A_125 = arith.constant 0 : i32
      %add3A_126 = arith.addi %mul3A_119, %add3A_125 : i32
      %get3A_127 = arith.index_cast %add3A_126 : i32 to index
      %get3A_128 = arith.constant 0 : index
      %get3A_129 = tpu.vector_load %arg17[%get3A_127, %get3A_128] {strides = array<i32>} : memref<512x128xf32, #tpu.memory_space<vmem>>, vector<16xf32>,
      %mul3A_130 = arith.mulf %get3A_129, %get3A_19 : vector<16xf32>
      %get3A_131 = arith.index_cast %add3A_126 : i32 to index
      %get3A_132 = arith.constant 16 : index
      %get3A_133 = tpu.vector_load %arg17[%get3A_131, %get3A_132] {strides = array<i32>} : memref<512x128xf32, #tpu.memory_space<vmem>>, vector<16xf32>,
      %mul3A_134 = arith.mulf %get3A_133, %get3A_21 : vector<16xf32>
      %add3A_135 = arith.addf %mul3A_130, %mul3A_134 : vector<16xf32>
      %get3A_136 = arith.index_cast %add3A_126 : i32 to index
      %get3A_137 = arith.constant 32 : index
      %get3A_138 = tpu.vector_load %arg17[%get3A_136, %get3A_137] {strides = array<i32>} : memref<512x128xf32, #tpu.memory_space<vmem>>, vector<16xf32>,
      %mul3A_139 = arith.mulf %get3A_138, %get3A_23 : vector<16xf32>
      %add3A_140 = arith.addf %add3A_135, %mul3A_139 : vector<16xf32>
      %get3A_141 = arith.index_cast %add3A_126 : i32 to index
      %get3A_142 = arith.constant 48 : index
      %get3A_143 = tpu.vector_load %arg17[%get3A_141, %get3A_142] {strides = array<i32>} : memref<512x128xf32, #tpu.memory_space<vmem>>, vector<16xf32>,
      %mul3A_144 = arith.mulf %get3A_143, %get3A_25 : vector<16xf32>
      %add3A_145 = arith.addf %add3A_140, %mul3A_144 : vector<16xf32>
      %get3A_146 = arith.index_cast %add3A_126 : i32 to index
      %get3A_147 = arith.constant 64 : index
      %get3A_148 = tpu.vector_load %arg17[%get3A_146, %get3A_147] {strides = array<i32>} : memref<512x128xf32, #tpu.memory_space<vmem>>, vector<16xf32>,
      %mul3A_149 = arith.mulf %get3A_148, %get3A_27 : vector<16xf32>
      %add3A_150 = arith.addf %add3A_145, %mul3A_149 : vector<16xf32>
      %get3A_151 = arith.index_cast %add3A_126 : i32 to index
      %get3A_152 = arith.constant 80 : index
      %get3A_153 = tpu.vector_load %arg17[%get3A_151, %get3A_152] {strides = array<i32>} : memref<512x128xf32, #tpu.memory_space<vmem>>, vector<16xf32>,
      %mul3A_154 = arith.mulf %get3A_153, %get3A_29 : vector<16xf32>
      %add3A_155 = arith.addf %add3A_150, %mul3A_154 : vector<16xf32>
      %get3A_156 = arith.index_cast %add3A_126 : i32 to index
      %get3A_157 = arith.constant 96 : index
      %get3A_158 = tpu.vector_load %arg17[%get3A_156, %get3A_157] {strides = array<i32>} : memref<512x128xf32, #tpu.memory_space<vmem>>, vector<16xf32>,
      %mul3A_159 = arith.mulf %get3A_158, %get3A_31 : vector<16xf32>
      %add3A_160 = arith.addf %add3A_155, %mul3A_159 : vector<16xf32>
      %get3A_161 = arith.index_cast %add3A_126 : i32 to index
      %get3A_162 = arith.constant 112 : index
      %get3A_163 = tpu.vector_load %arg17[%get3A_161, %get3A_162] {strides = array<i32>} : memref<512x128xf32, #tpu.memory_space<vmem>>, vector<16xf32>,
      %mul3A_164 = arith.mulf %get3A_163, %get3A_33 : vector<16xf32>
      %add3A_165 = arith.addf %add3A_160, %mul3A_164 : vector<16xf32>
      %reduce_sum3A = arith.constant true
      %reduce_sum3A_166 = vector.broadcast %reduce_sum3A : i1 to vector<16xi1>
      %reduce_sum3A_167 = tpu.scan <sum>, %add3A_165 masked %reduce_sum3A_166 : vector<16xf32>, vector<16xi1> -> vector<16xf32>
      %reduce_sum3A_168 = vector.extract %reduce_sum3A_167[15] : f32 from vector<16xf32>
      %mul3A_169 = vector.broadcast %reduce_sum3A_168 : f32 to vector<16xf32>
      %mul3A_170 = arith.mulf %mul3A_169, %convert_element_type3A_36 : vector<16xf32>
      %add3A_171 = arith.addf %add3A_124, %mul3A_170 : vector<16xf32>
      %add3A_172 = arith.constant 1 : i32
      %add3A_173 = arith.addi %mul3A_119, %add3A_172 : i32
      %get3A_174 = arith.index_cast %add3A_173 : i32 to index
      %get3A_175 = arith.constant 0 : index
      %get3A_176 = tpu.vector_load %arg17[%get3A_174, %get3A_175] {strides = array<i32>} : memref<512x128xf32, #tpu.memory_space<vmem>>, vector<16xf32>,
      %mul3A_177 = arith.mulf %get3A_176, %get3A_19 : vector<16xf32>
      %get3A_178 = arith.index_cast %add3A_173 : i32 to index
      %get3A_179 = arith.constant 16 : index
      %get3A_180 = tpu.vector_load %arg17[%get3A_178, %get3A_179] {strides = array<i32>} : memref<512x128xf32, #tpu.memory_space<vmem>>, vector<16xf32>,
      %mul3A_181 = arith.mulf %get3A_180, %get3A_21 : vector<16xf32>
      %add3A_182 = arith.addf %mul3A_177, %mul3A_181 : vector<16xf32>
      %get3A_183 = arith.index_cast %add3A_173 : i32 to index
      %get3A_184 = arith.constant 32 : index
      %get3A_185 = tpu.vector_load %arg17[%get3A_183, %get3A_184] {strides = array<i32>} : memref<512x128xf32, #tpu.memory_space<vmem>>, vector<16xf32>,
      %mul3A_186 = arith.mulf %get3A_185, %get3A_23 : vector<16xf32>
      %add3A_187 = arith.addf %add3A_182, %mul3A_186 : vector<16xf32>
      %get3A_188 = arith.index_cast %add3A_173 : i32 to index
      %get3A_189 = arith.constant 48 : index
      %get3A_190 = tpu.vector_load %arg17[%get3A_188, %get3A_189] {strides = array<i32>} : memref<512x128xf32, #tpu.memory_space<vmem>>, vector<16xf32>,
      %mul3A_191 = arith.mulf %get3A_190, %get3A_25 : vector<16xf32>
      %add3A_192 = arith.addf %add3A_187, %mul3A_191 : vector<16xf32>
      %get3A_193 = arith.index_cast %add3A_173 : i32 to index
      %get3A_194 = arith.constant 64 : index
      %get3A_195 = tpu.vector_load %arg17[%get3A_193, %get3A_194] {strides = array<i32>} : memref<512x128xf32, #tpu.memory_space<vmem>>, vector<16xf32>,
      %mul3A_196 = arith.mulf %get3A_195, %get3A_27 : vector<16xf32>
      %add3A_197 = arith.addf %add3A_192, %mul3A_196 : vector<16xf32>
      %get3A_198 = arith.index_cast %add3A_173 : i32 to index
      %get3A_199 = arith.constant 80 : index
      %get3A_200 = tpu.vector_load %arg17[%get3A_198, %get3A_199] {strides = array<i32>} : memref<512x128xf32, #tpu.memory_space<vmem>>, vector<16xf32>,
      %mul3A_201 = arith.mulf %get3A_200, %get3A_29 : vector<16xf32>
      %add3A_202 = arith.addf %add3A_197, %mul3A_201 : vector<16xf32>
      %get3A_203 = arith.index_cast %add3A_173 : i32 to index
      %get3A_204 = arith.constant 96 : index
      %get3A_205 = tpu.vector_load %arg17[%get3A_203, %get3A_204] {strides = array<i32>} : memref<512x128xf32, #tpu.memory_space<vmem>>, vector<16xf32>,
      %mul3A_206 = arith.mulf %get3A_205, %get3A_31 : vector<16xf32>
      %add3A_207 = arith.addf %add3A_202, %mul3A_206 : vector<16xf32>
      %get3A_208 = arith.index_cast %add3A_173 : i32 to index
      %get3A_209 = arith.constant 112 : index
      %get3A_210 = tpu.vector_load %arg17[%get3A_208, %get3A_209] {strides = array<i32>} : memref<512x128xf32, #tpu.memory_space<vmem>>, vector<16xf32>,
      %mul3A_211 = arith.mulf %get3A_210, %get3A_33 : vector<16xf32>
      %add3A_212 = arith.addf %add3A_207, %mul3A_211 : vector<16xf32>
      %reduce_sum3A_213 = arith.constant true
      %reduce_sum3A_214 = vector.broadcast %reduce_sum3A_213 : i1 to vector<16xi1>
      %reduce_sum3A_215 = tpu.scan <sum>, %add3A_212 masked %reduce_sum3A_214 : vector<16xf32>, vector<16xi1> -> vector<16xf32>
      %reduce_sum3A_216 = vector.extract %reduce_sum3A_215[15] : f32 from vector<16xf32>
      %mul3A_217 = vector.broadcast %reduce_sum3A_216 : f32 to vector<16xf32>
      %mul3A_218 = arith.mulf %mul3A_217, %convert_element_type3A_41 : vector<16xf32>
      %add3A_219 = arith.addf %add3A_171, %mul3A_218 : vector<16xf32>
      %add3A_220 = arith.constant 2 : i32
      %add3A_221 = arith.addi %mul3A_119, %add3A_220 : i32
      %get3A_222 = arith.index_cast %add3A_221 : i32 to index
      %get3A_223 = arith.constant 0 : index
      %get3A_224 = tpu.vector_load %arg17[%get3A_222, %get3A_223] {strides = array<i32>} : memref<512x128xf32, #tpu.memory_space<vmem>>, vector<16xf32>,
      %mul3A_225 = arith.mulf %get3A_224, %get3A_19 : vector<16xf32>
      %get3A_226 = arith.index_cast %add3A_221 : i32 to index
      %get3A_227 = arith.constant 16 : index
      %get3A_228 = tpu.vector_load %arg17[%get3A_226, %get3A_227] {strides = array<i32>} : memref<512x128xf32, #tpu.memory_space<vmem>>, vector<16xf32>,
      %mul3A_229 = arith.mulf %get3A_228, %get3A_21 : vector<16xf32>
      %add3A_230 = arith.addf %mul3A_225, %mul3A_229 : vector<16xf32>
      %get3A_231 = arith.index_cast %add3A_221 : i32 to index
      %get3A_232 = arith.constant 32 : index
      %get3A_233 = tpu.vector_load %arg17[%get3A_231, %get3A_232] {strides = array<i32>} : memref<512x128xf32, #tpu.memory_space<vmem>>, vector<16xf32>,
      %mul3A_234 = arith.mulf %get3A_233, %get3A_23 : vector<16xf32>
      %add3A_235 = arith.addf %add3A_230, %mul3A_234 : vector<16xf32>
      %get3A_236 = arith.index_cast %add3A_221 : i32 to index
      %get3A_237 = arith.constant 48 : index
      %get3A_238 = tpu.vector_load %arg17[%get3A_236, %get3A_237] {strides = array<i32>} : memref<512x128xf32, #tpu.memory_space<vmem>>, vector<16xf32>,
      %mul3A_239 = arith.mulf %get3A_238, %get3A_25 : vector<16xf32>
      %add3A_240 = arith.addf %add3A_235, %mul3A_239 : vector<16xf32>
      %get3A_241 = arith.index_cast %add3A_221 : i32 to index
      %get3A_242 = arith.constant 64 : index
      %get3A_243 = tpu.vector_load %arg17[%get3A_241, %get3A_242] {strides = array<i32>} : memref<512x128xf32, #tpu.memory_space<vmem>>, vector<16xf32>,
      %mul3A_244 = arith.mulf %get3A_243, %get3A_27 : vector<16xf32>
      %add3A_245 = arith.addf %add3A_240, %mul3A_244 : vector<16xf32>
      %get3A_246 = arith.index_cast %add3A_221 : i32 to index
      %get3A_247 = arith.constant 80 : index
      %get3A_248 = tpu.vector_load %arg17[%get3A_246, %get3A_247] {strides = array<i32>} : memref<512x128xf32, #tpu.memory_space<vmem>>, vector<16xf32>,
      %mul3A_249 = arith.mulf %get3A_248, %get3A_29 : vector<16xf32>
      %add3A_250 = arith.addf %add3A_245, %mul3A_249 : vector<16xf32>
      %get3A_251 = arith.index_cast %add3A_221 : i32 to index
      %get3A_252 = arith.constant 96 : index
      %get3A_253 = tpu.vector_load %arg17[%get3A_251, %get3A_252] {strides = array<i32>} : memref<512x128xf32, #tpu.memory_space<vmem>>, vector<16xf32>,
      %mul3A_254 = arith.mulf %get3A_253, %get3A_31 : vector<16xf32>
      %add3A_255 = arith.addf %add3A_250, %mul3A_254 : vector<16xf32>
      %get3A_256 = arith.index_cast %add3A_221 : i32 to index
      %get3A_257 = arith.constant 112 : index
      %get3A_258 = tpu.vector_load %arg17[%get3A_256, %get3A_257] {strides = array<i32>} : memref<512x128xf32, #tpu.memory_space<vmem>>, vector<16xf32>,
      %mul3A_259 = arith.mulf %get3A_258, %get3A_33 : vector<16xf32>
      %add3A_260 = arith.addf %add3A_255, %mul3A_259 : vector<16xf32>
      %reduce_sum3A_261 = arith.constant true
      %reduce_sum3A_262 = vector.broadcast %reduce_sum3A_261 : i1 to vector<16xi1>
      %reduce_sum3A_263 = tpu.scan <sum>, %add3A_260 masked %reduce_sum3A_262 : vector<16xf32>, vector<16xi1> -> vector<16xf32>
      %reduce_sum3A_264 = vector.extract %reduce_sum3A_263[15] : f32 from vector<16xf32>
      %mul3A_265 = vector.broadcast %reduce_sum3A_264 : f32 to vector<16xf32>
      %mul3A_266 = arith.mulf %mul3A_265, %convert_element_type3A_46 : vector<16xf32>
      %add3A_267 = arith.addf %add3A_219, %mul3A_266 : vector<16xf32>
      %add3A_268 = arith.constant 3 : i32
      %add3A_269 = arith.addi %mul3A_119, %add3A_268 : i32
      %get3A_270 = arith.index_cast %add3A_269 : i32 to index
      %get3A_271 = arith.constant 0 : index
      %get3A_272 = tpu.vector_load %arg17[%get3A_270, %get3A_271] {strides = array<i32>} : memref<512x128xf32, #tpu.memory_space<vmem>>, vector<16xf32>,
      %mul3A_273 = arith.mulf %get3A_272, %get3A_19 : vector<16xf32>
      %get3A_274 = arith.index_cast %add3A_269 : i32 to index
      %get3A_275 = arith.constant 16 : index
      %get3A_276 = tpu.vector_load %arg17[%get3A_274, %get3A_275] {strides = array<i32>} : memref<512x128xf32, #tpu.memory_space<vmem>>, vector<16xf32>,
      %mul3A_277 = arith.mulf %get3A_276, %get3A_21 : vector<16xf32>
      %add3A_278 = arith.addf %mul3A_273, %mul3A_277 : vector<16xf32>
      %get3A_279 = arith.index_cast %add3A_269 : i32 to index
      %get3A_280 = arith.constant 32 : index
      %get3A_281 = tpu.vector_load %arg17[%get3A_279, %get3A_280] {strides = array<i32>} : memref<512x128xf32, #tpu.memory_space<vmem>>, vector<16xf32>,
      %mul3A_282 = arith.mulf %get3A_281, %get3A_23 : vector<16xf32>
      %add3A_283 = arith.addf %add3A_278, %mul3A_282 : vector<16xf32>
      %get3A_284 = arith.index_cast %add3A_269 : i32 to index
      %get3A_285 = arith.constant 48 : index
      %get3A_286 = tpu.vector_load %arg17[%get3A_284, %get3A_285] {strides = array<i32>} : memref<512x128xf32, #tpu.memory_space<vmem>>, vector<16xf32>,
      %mul3A_287 = arith.mulf %get3A_286, %get3A_25 : vector<16xf32>
      %add3A_288 = arith.addf %add3A_283, %mul3A_287 : vector<16xf32>
      %get3A_289 = arith.index_cast %add3A_269 : i32 to index
      %get3A_290 = arith.constant 64 : index
      %get3A_291 = tpu.vector_load %arg17[%get3A_289, %get3A_290] {strides = array<i32>} : memref<512x128xf32, #tpu.memory_space<vmem>>, vector<16xf32>,
      %mul3A_292 = arith.mulf %get3A_291, %get3A_27 : vector<16xf32>
      %add3A_293 = arith.addf %add3A_288, %mul3A_292 : vector<16xf32>
      %get3A_294 = arith.index_cast %add3A_269 : i32 to index
      %get3A_295 = arith.constant 80 : index
      %get3A_296 = tpu.vector_load %arg17[%get3A_294, %get3A_295] {strides = array<i32>} : memref<512x128xf32, #tpu.memory_space<vmem>>, vector<16xf32>,
      %mul3A_297 = arith.mulf %get3A_296, %get3A_29 : vector<16xf32>
      %add3A_298 = arith.addf %add3A_293, %mul3A_297 : vector<16xf32>
      %get3A_299 = arith.index_cast %add3A_269 : i32 to index
      %get3A_300 = arith.constant 96 : index
      %get3A_301 = tpu.vector_load %arg17[%get3A_299, %get3A_300] {strides = array<i32>} : memref<512x128xf32, #tpu.memory_space<vmem>>, vector<16xf32>,
      %mul3A_302 = arith.mulf %get3A_301, %get3A_31 : vector<16xf32>
      %add3A_303 = arith.addf %add3A_298, %mul3A_302 : vector<16xf32>
      %get3A_304 = arith.index_cast %add3A_269 : i32 to index
      %get3A_305 = arith.constant 112 : index
      %get3A_306 = tpu.vector_load %arg17[%get3A_304, %get3A_305] {strides = array<i32>} : memref<512x128xf32, #tpu.memory_space<vmem>>, vector<16xf32>,
      %mul3A_307 = arith.mulf %get3A_306, %get3A_33 : vector<16xf32>
      %add3A_308 = arith.addf %add3A_303, %mul3A_307 : vector<16xf32>
      %reduce_sum3A_309 = arith.constant true
      %reduce_sum3A_310 = vector.broadcast %reduce_sum3A_309 : i1 to vector<16xi1>
      %reduce_sum3A_311 = tpu.scan <sum>, %add3A_308 masked %reduce_sum3A_310 : vector<16xf32>, vector<16xi1> -> vector<16xf32>
      %reduce_sum3A_312 = vector.extract %reduce_sum3A_311[15] : f32 from vector<16xf32>
      %mul3A_313 = vector.broadcast %reduce_sum3A_312 : f32 to vector<16xf32>
      %mul3A_314 = arith.mulf %mul3A_313, %convert_element_type3A_51 : vector<16xf32>
      %add3A_315 = arith.addf %add3A_267, %mul3A_314 : vector<16xf32>
      %add3A_316 = arith.constant 4 : i32
      %add3A_317 = arith.addi %mul3A_119, %add3A_316 : i32
      %get3A_318 = arith.index_cast %add3A_317 : i32 to index
      %get3A_319 = arith.constant 0 : index
      %get3A_320 = tpu.vector_load %arg17[%get3A_318, %get3A_319] {strides = array<i32>} : memref<512x128xf32, #tpu.memory_space<vmem>>, vector<16xf32>,
      %mul3A_321 = arith.mulf %get3A_320, %get3A_19 : vector<16xf32>
      %get3A_322 = arith.index_cast %add3A_317 : i32 to index
      %get3A_323 = arith.constant 16 : index
      %get3A_324 = tpu.vector_load %arg17[%get3A_322, %get3A_323] {strides = array<i32>} : memref<512x128xf32, #tpu.memory_space<vmem>>, vector<16xf32>,
      %mul3A_325 = arith.mulf %get3A_324, %get3A_21 : vector<16xf32>
      %add3A_326 = arith.addf %mul3A_321, %mul3A_325 : vector<16xf32>
      %get3A_327 = arith.index_cast %add3A_317 : i32 to index
      %get3A_328 = arith.constant 32 : index
      %get3A_329 = tpu.vector_load %arg17[%get3A_327, %get3A_328] {strides = array<i32>} : memref<512x128xf32, #tpu.memory_space<vmem>>, vector<16xf32>,
      %mul3A_330 = arith.mulf %get3A_329, %get3A_23 : vector<16xf32>
      %add3A_331 = arith.addf %add3A_326, %mul3A_330 : vector<16xf32>
      %get3A_332 = arith.index_cast %add3A_317 : i32 to index
      %get3A_333 = arith.constant 48 : index
      %get3A_334 = tpu.vector_load %arg17[%get3A_332, %get3A_333] {strides = array<i32>} : memref<512x128xf32, #tpu.memory_space<vmem>>, vector<16xf32>,
      %mul3A_335 = arith.mulf %get3A_334, %get3A_25 : vector<16xf32>
      %add3A_336 = arith.addf %add3A_331, %mul3A_335 : vector<16xf32>
      %get3A_337 = arith.index_cast %add3A_317 : i32 to index
      %get3A_338 = arith.constant 64 : index
      %get3A_339 = tpu.vector_load %arg17[%get3A_337, %get3A_338] {strides = array<i32>} : memref<512x128xf32, #tpu.memory_space<vmem>>, vector<16xf32>,
      %mul3A_340 = arith.mulf %get3A_339, %get3A_27 : vector<16xf32>
      %add3A_341 = arith.addf %add3A_336, %mul3A_340 : vector<16xf32>
      %get3A_342 = arith.index_cast %add3A_317 : i32 to index
      %get3A_343 = arith.constant 80 : index
      %get3A_344 = tpu.vector_load %arg17[%get3A_342, %get3A_343] {strides = array<i32>} : memref<512x128xf32, #tpu.memory_space<vmem>>, vector<16xf32>,
      %mul3A_345 = arith.mulf %get3A_344, %get3A_29 : vector<16xf32>
      %add3A_346 = arith.addf %add3A_341, %mul3A_345 : vector<16xf32>
      %get3A_347 = arith.index_cast %add3A_317 : i32 to index
      %get3A_348 = arith.constant 96 : index
      %get3A_349 = tpu.vector_load %arg17[%get3A_347, %get3A_348] {strides = array<i32>} : memref<512x128xf32, #tpu.memory_space<vmem>>, vector<16xf32>,
      %mul3A_350 = arith.mulf %get3A_349, %get3A_31 : vector<16xf32>
      %add3A_351 = arith.addf %add3A_346, %mul3A_350 : vector<16xf32>
      %get3A_352 = arith.index_cast %add3A_317 : i32 to index
      %get3A_353 = arith.constant 112 : index
      %get3A_354 = tpu.vector_load %arg17[%get3A_352, %get3A_353] {strides = array<i32>} : memref<512x128xf32, #tpu.memory_space<vmem>>, vector<16xf32>,
      %mul3A_355 = arith.mulf %get3A_354, %get3A_33 : vector<16xf32>
      %add3A_356 = arith.addf %add3A_351, %mul3A_355 : vector<16xf32>
      %reduce_sum3A_357 = arith.constant true
      %reduce_sum3A_358 = vector.broadcast %reduce_sum3A_357 : i1 to vector<16xi1>
      %reduce_sum3A_359 = tpu.scan <sum>, %add3A_356 masked %reduce_sum3A_358 : vector<16xf32>, vector<16xi1> -> vector<16xf32>
      %reduce_sum3A_360 = vector.extract %reduce_sum3A_359[15] : f32 from vector<16xf32>
      %mul3A_361 = vector.broadcast %reduce_sum3A_360 : f32 to vector<16xf32>
      %mul3A_362 = arith.mulf %mul3A_361, %convert_element_type3A_56 : vector<16xf32>
      %add3A_363 = arith.addf %add3A_315, %mul3A_362 : vector<16xf32>
      %add3A_364 = arith.constant 5 : i32
      %add3A_365 = arith.addi %mul3A_119, %add3A_364 : i32
      %get3A_366 = arith.index_cast %add3A_365 : i32 to index
      %get3A_367 = arith.constant 0 : index
      %get3A_368 = tpu.vector_load %arg17[%get3A_366, %get3A_367] {strides = array<i32>} : memref<512x128xf32, #tpu.memory_space<vmem>>, vector<16xf32>,
      %mul3A_369 = arith.mulf %get3A_368, %get3A_19 : vector<16xf32>
      %get3A_370 = arith.index_cast %add3A_365 : i32 to index
      %get3A_371 = arith.constant 16 : index
      %get3A_372 = tpu.vector_load %arg17[%get3A_370, %get3A_371] {strides = array<i32>} : memref<512x128xf32, #tpu.memory_space<vmem>>, vector<16xf32>,
      %mul3A_373 = arith.mulf %get3A_372, %get3A_21 : vector<16xf32>
      %add3A_374 = arith.addf %mul3A_369, %mul3A_373 : vector<16xf32>
      %get3A_375 = arith.index_cast %add3A_365 : i32 to index
      %get3A_376 = arith.constant 32 : index
      %get3A_377 = tpu.vector_load %arg17[%get3A_375, %get3A_376] {strides = array<i32>} : memref<512x128xf32, #tpu.memory_space<vmem>>, vector<16xf32>,
      %mul3A_378 = arith.mulf %get3A_377, %get3A_23 : vector<16xf32>
      %add3A_379 = arith.addf %add3A_374, %mul3A_378 : vector<16xf32>
      %get3A_380 = arith.index_cast %add3A_365 : i32 to index
      %get3A_381 = arith.constant 48 : index
      %get3A_382 = tpu.vector_load %arg17[%get3A_380, %get3A_381] {strides = array<i32>} : memref<512x128xf32, #tpu.memory_space<vmem>>, vector<16xf32>,
      %mul3A_383 = arith.mulf %get3A_382, %get3A_25 : vector<16xf32>
      %add3A_384 = arith.addf %add3A_379, %mul3A_383 : vector<16xf32>
      %get3A_385 = arith.index_cast %add3A_365 : i32 to index
      %get3A_386 = arith.constant 64 : index
      %get3A_387 = tpu.vector_load %arg17[%get3A_385, %get3A_386] {strides = array<i32>} : memref<512x128xf32, #tpu.memory_space<vmem>>, vector<16xf32>,
      %mul3A_388 = arith.mulf %get3A_387, %get3A_27 : vector<16xf32>
      %add3A_389 = arith.addf %add3A_384, %mul3A_388 : vector<16xf32>
      %get3A_390 = arith.index_cast %add3A_365 : i32 to index
      %get3A_391 = arith.constant 80 : index
      %get3A_392 = tpu.vector_load %arg17[%get3A_390, %get3A_391] {strides = array<i32>} : memref<512x128xf32, #tpu.memory_space<vmem>>, vector<16xf32>,
      %mul3A_393 = arith.mulf %get3A_392, %get3A_29 : vector<16xf32>
      %add3A_394 = arith.addf %add3A_389, %mul3A_393 : vector<16xf32>
      %get3A_395 = arith.index_cast %add3A_365 : i32 to index
      %get3A_396 = arith.constant 96 : index
      %get3A_397 = tpu.vector_load %arg17[%get3A_395, %get3A_396] {strides = array<i32>} : memref<512x128xf32, #tpu.memory_space<vmem>>, vector<16xf32>,
      %mul3A_398 = arith.mulf %get3A_397, %get3A_31 : vector<16xf32>
      %add3A_399 = arith.addf %add3A_394, %mul3A_398 : vector<16xf32>
      %get3A_400 = arith.index_cast %add3A_365 : i32 to index
      %get3A_401 = arith.constant 112 : index
      %get3A_402 = tpu.vector_load %arg17[%get3A_400, %get3A_401] {strides = array<i32>} : memref<512x128xf32, #tpu.memory_space<vmem>>, vector<16xf32>,
      %mul3A_403 = arith.mulf %get3A_402, %get3A_33 : vector<16xf32>
      %add3A_404 = arith.addf %add3A_399, %mul3A_403 : vector<16xf32>
      %reduce_sum3A_405 = arith.constant true
      %reduce_sum3A_406 = vector.broadcast %reduce_sum3A_405 : i1 to vector<16xi1>
      %reduce_sum3A_407 = tpu.scan <sum>, %add3A_404 masked %reduce_sum3A_406 : vector<16xf32>, vector<16xi1> -> vector<16xf32>
      %reduce_sum3A_408 = vector.extract %reduce_sum3A_407[15] : f32 from vector<16xf32>
      %mul3A_409 = vector.broadcast %reduce_sum3A_408 : f32 to vector<16xf32>
      %mul3A_410 = arith.mulf %mul3A_409, %convert_element_type3A_61 : vector<16xf32>
      %add3A_411 = arith.addf %add3A_363, %mul3A_410 : vector<16xf32>
      %add3A_412 = arith.constant 6 : i32
      %add3A_413 = arith.addi %mul3A_119, %add3A_412 : i32
      %get3A_414 = arith.index_cast %add3A_413 : i32 to index
      %get3A_415 = arith.constant 0 : index
      %get3A_416 = tpu.vector_load %arg17[%get3A_414, %get3A_415] {strides = array<i32>} : memref<512x128xf32, #tpu.memory_space<vmem>>, vector<16xf32>,
      %mul3A_417 = arith.mulf %get3A_416, %get3A_19 : vector<16xf32>
      %get3A_418 = arith.index_cast %add3A_413 : i32 to index
      %get3A_419 = arith.constant 16 : index
      %get3A_420 = tpu.vector_load %arg17[%get3A_418, %get3A_419] {strides = array<i32>} : memref<512x128xf32, #tpu.memory_space<vmem>>, vector<16xf32>,
      %mul3A_421 = arith.mulf %get3A_420, %get3A_21 : vector<16xf32>
      %add3A_422 = arith.addf %mul3A_417, %mul3A_421 : vector<16xf32>
      %get3A_423 = arith.index_cast %add3A_413 : i32 to index
      %get3A_424 = arith.constant 32 : index
      %get3A_425 = tpu.vector_load %arg17[%get3A_423, %get3A_424] {strides = array<i32>} : memref<512x128xf32, #tpu.memory_space<vmem>>, vector<16xf32>,
      %mul3A_426 = arith.mulf %get3A_425, %get3A_23 : vector<16xf32>
      %add3A_427 = arith.addf %add3A_422, %mul3A_426 : vector<16xf32>
      %get3A_428 = arith.index_cast %add3A_413 : i32 to index
      %get3A_429 = arith.constant 48 : index
      %get3A_430 = tpu.vector_load %arg17[%get3A_428, %get3A_429] {strides = array<i32>} : memref<512x128xf32, #tpu.memory_space<vmem>>, vector<16xf32>,
      %mul3A_431 = arith.mulf %get3A_430, %get3A_25 : vector<16xf32>
      %add3A_432 = arith.addf %add3A_427, %mul3A_431 : vector<16xf32>
      %get3A_433 = arith.index_cast %add3A_413 : i32 to index
      %get3A_434 = arith.constant 64 : index
      %get3A_435 = tpu.vector_load %arg17[%get3A_433, %get3A_434] {strides = array<i32>} : memref<512x128xf32, #tpu.memory_space<vmem>>, vector<16xf32>,
      %mul3A_436 = arith.mulf %get3A_435, %get3A_27 : vector<16xf32>
      %add3A_437 = arith.addf %add3A_432, %mul3A_436 : vector<16xf32>
      %get3A_438 = arith.index_cast %add3A_413 : i32 to index
      %get3A_439 = arith.constant 80 : index
      %get3A_440 = tpu.vector_load %arg17[%get3A_438, %get3A_439] {strides = array<i32>} : memref<512x128xf32, #tpu.memory_space<vmem>>, vector<16xf32>,
      %mul3A_441 = arith.mulf %get3A_440, %get3A_29 : vector<16xf32>
      %add3A_442 = arith.addf %add3A_437, %mul3A_441 : vector<16xf32>
      %get3A_443 = arith.index_cast %add3A_413 : i32 to index
      %get3A_444 = arith.constant 96 : index
      %get3A_445 = tpu.vector_load %arg17[%get3A_443, %get3A_444] {strides = array<i32>} : memref<512x128xf32, #tpu.memory_space<vmem>>, vector<16xf32>,
      %mul3A_446 = arith.mulf %get3A_445, %get3A_31 : vector<16xf32>
      %add3A_447 = arith.addf %add3A_442, %mul3A_446 : vector<16xf32>
      %get3A_448 = arith.index_cast %add3A_413 : i32 to index
      %get3A_449 = arith.constant 112 : index
      %get3A_450 = tpu.vector_load %arg17[%get3A_448, %get3A_449] {strides = array<i32>} : memref<512x128xf32, #tpu.memory_space<vmem>>, vector<16xf32>,
      %mul3A_451 = arith.mulf %get3A_450, %get3A_33 : vector<16xf32>
      %add3A_452 = arith.addf %add3A_447, %mul3A_451 : vector<16xf32>
      %reduce_sum3A_453 = arith.constant true
      %reduce_sum3A_454 = vector.broadcast %reduce_sum3A_453 : i1 to vector<16xi1>
      %reduce_sum3A_455 = tpu.scan <sum>, %add3A_452 masked %reduce_sum3A_454 : vector<16xf32>, vector<16xi1> -> vector<16xf32>
      %reduce_sum3A_456 = vector.extract %reduce_sum3A_455[15] : f32 from vector<16xf32>
      %mul3A_457 = vector.broadcast %reduce_sum3A_456 : f32 to vector<16xf32>
      %mul3A_458 = arith.mulf %mul3A_457, %convert_element_type3A_66 : vector<16xf32>
      %add3A_459 = arith.addf %add3A_411, %mul3A_458 : vector<16xf32>
      %add3A_460 = arith.constant 7 : i32
      %add3A_461 = arith.addi %mul3A_119, %add3A_460 : i32
      %get3A_462 = arith.index_cast %add3A_461 : i32 to index
      %get3A_463 = arith.constant 0 : index
      %get3A_464 = tpu.vector_load %arg17[%get3A_462, %get3A_463] {strides = array<i32>} : memref<512x128xf32, #tpu.memory_space<vmem>>, vector<16xf32>,
      %mul3A_465 = arith.mulf %get3A_464, %get3A_19 : vector<16xf32>
      %get3A_466 = arith.index_cast %add3A_461 : i32 to index
      %get3A_467 = arith.constant 16 : index
      %get3A_468 = tpu.vector_load %arg17[%get3A_466, %get3A_467] {strides = array<i32>} : memref<512x128xf32, #tpu.memory_space<vmem>>, vector<16xf32>,
      %mul3A_469 = arith.mulf %get3A_468, %get3A_21 : vector<16xf32>
      %add3A_470 = arith.addf %mul3A_465, %mul3A_469 : vector<16xf32>
      %get3A_471 = arith.index_cast %add3A_461 : i32 to index
      %get3A_472 = arith.constant 32 : index
      %get3A_473 = tpu.vector_load %arg17[%get3A_471, %get3A_472] {strides = array<i32>} : memref<512x128xf32, #tpu.memory_space<vmem>>, vector<16xf32>,
      %mul3A_474 = arith.mulf %get3A_473, %get3A_23 : vector<16xf32>
      %add3A_475 = arith.addf %add3A_470, %mul3A_474 : vector<16xf32>
      %get3A_476 = arith.index_cast %add3A_461 : i32 to index
      %get3A_477 = arith.constant 48 : index
      %get3A_478 = tpu.vector_load %arg17[%get3A_476, %get3A_477] {strides = array<i32>} : memref<512x128xf32, #tpu.memory_space<vmem>>, vector<16xf32>,
      %mul3A_479 = arith.mulf %get3A_478, %get3A_25 : vector<16xf32>
      %add3A_480 = arith.addf %add3A_475, %mul3A_479 : vector<16xf32>
      %get3A_481 = arith.index_cast %add3A_461 : i32 to index
      %get3A_482 = arith.constant 64 : index
      %get3A_483 = tpu.vector_load %arg17[%get3A_481, %get3A_482] {strides = array<i32>} : memref<512x128xf32, #tpu.memory_space<vmem>>, vector<16xf32>,
      %mul3A_484 = arith.mulf %get3A_483, %get3A_27 : vector<16xf32>
      %add3A_485 = arith.addf %add3A_480, %mul3A_484 : vector<16xf32>
      %get3A_486 = arith.index_cast %add3A_461 : i32 to index
      %get3A_487 = arith.constant 80 : index
      %get3A_488 = tpu.vector_load %arg17[%get3A_486, %get3A_487] {strides = array<i32>} : memref<512x128xf32, #tpu.memory_space<vmem>>, vector<16xf32>,
      %mul3A_489 = arith.mulf %get3A_488, %get3A_29 : vector<16xf32>
      %add3A_490 = arith.addf %add3A_485, %mul3A_489 : vector<16xf32>
      %get3A_491 = arith.index_cast %add3A_461 : i32 to index
      %get3A_492 = arith.constant 96 : index
      %get3A_493 = tpu.vector_load %arg17[%get3A_491, %get3A_492] {strides = array<i32>} : memref<512x128xf32, #tpu.memory_space<vmem>>, vector<16xf32>,
      %mul3A_494 = arith.mulf %get3A_493, %get3A_31 : vector<16xf32>
      %add3A_495 = arith.addf %add3A_490, %mul3A_494 : vector<16xf32>
      %get3A_496 = arith.index_cast %add3A_461 : i32 to index
      %get3A_497 = arith.constant 112 : index
      %get3A_498 = tpu.vector_load %arg17[%get3A_496, %get3A_497] {strides = array<i32>} : memref<512x128xf32, #tpu.memory_space<vmem>>, vector<16xf32>,
      %mul3A_499 = arith.mulf %get3A_498, %get3A_33 : vector<16xf32>
      %add3A_500 = arith.addf %add3A_495, %mul3A_499 : vector<16xf32>
      %reduce_sum3A_501 = arith.constant true
      %reduce_sum3A_502 = vector.broadcast %reduce_sum3A_501 : i1 to vector<16xi1>
      %reduce_sum3A_503 = tpu.scan <sum>, %add3A_500 masked %reduce_sum3A_502 : vector<16xf32>, vector<16xi1> -> vector<16xf32>
      %reduce_sum3A_504 = vector.extract %reduce_sum3A_503[15] : f32 from vector<16xf32>
      %mul3A_505 = vector.broadcast %reduce_sum3A_504 : f32 to vector<16xf32>
      %mul3A_506 = arith.mulf %mul3A_505, %convert_element_type3A_71 : vector<16xf32>
      %add3A_507 = arith.addf %add3A_459, %mul3A_506 : vector<16xf32>
      %add3A_508 = arith.constant 8 : i32
      %add3A_509 = arith.addi %mul3A_119, %add3A_508 : i32
      %get3A_510 = arith.index_cast %add3A_509 : i32 to index
      %get3A_511 = arith.constant 0 : index
      %get3A_512 = tpu.vector_load %arg17[%get3A_510, %get3A_511] {strides = array<i32>} : memref<512x128xf32, #tpu.memory_space<vmem>>, vector<16xf32>,
      %mul3A_513 = arith.mulf %get3A_512, %get3A_19 : vector<16xf32>
      %get3A_514 = arith.index_cast %add3A_509 : i32 to index
      %get3A_515 = arith.constant 16 : index
      %get3A_516 = tpu.vector_load %arg17[%get3A_514, %get3A_515] {strides = array<i32>} : memref<512x128xf32, #tpu.memory_space<vmem>>, vector<16xf32>,
      %mul3A_517 = arith.mulf %get3A_516, %get3A_21 : vector<16xf32>
      %add3A_518 = arith.addf %mul3A_513, %mul3A_517 : vector<16xf32>
      %get3A_519 = arith.index_cast %add3A_509 : i32 to index
      %get3A_520 = arith.constant 32 : index
      %get3A_521 = tpu.vector_load %arg17[%get3A_519, %get3A_520] {strides = array<i32>} : memref<512x128xf32, #tpu.memory_space<vmem>>, vector<16xf32>,
      %mul3A_522 = arith.mulf %get3A_521, %get3A_23 : vector<16xf32>
      %add3A_523 = arith.addf %add3A_518, %mul3A_522 : vector<16xf32>
      %get3A_524 = arith.index_cast %add3A_509 : i32 to index
      %get3A_525 = arith.constant 48 : index
      %get3A_526 = tpu.vector_load %arg17[%get3A_524, %get3A_525] {strides = array<i32>} : memref<512x128xf32, #tpu.memory_space<vmem>>, vector<16xf32>,
      %mul3A_527 = arith.mulf %get3A_526, %get3A_25 : vector<16xf32>
      %add3A_528 = arith.addf %add3A_523, %mul3A_527 : vector<16xf32>
      %get3A_529 = arith.index_cast %add3A_509 : i32 to index
      %get3A_530 = arith.constant 64 : index
      %get3A_531 = tpu.vector_load %arg17[%get3A_529, %get3A_530] {strides = array<i32>} : memref<512x128xf32, #tpu.memory_space<vmem>>, vector<16xf32>,
      %mul3A_532 = arith.mulf %get3A_531, %get3A_27 : vector<16xf32>
      %add3A_533 = arith.addf %add3A_528, %mul3A_532 : vector<16xf32>
      %get3A_534 = arith.index_cast %add3A_509 : i32 to index
      %get3A_535 = arith.constant 80 : index
      %get3A_536 = tpu.vector_load %arg17[%get3A_534, %get3A_535] {strides = array<i32>} : memref<512x128xf32, #tpu.memory_space<vmem>>, vector<16xf32>,
      %mul3A_537 = arith.mulf %get3A_536, %get3A_29 : vector<16xf32>
      %add3A_538 = arith.addf %add3A_533, %mul3A_537 : vector<16xf32>
      %get3A_539 = arith.index_cast %add3A_509 : i32 to index
      %get3A_540 = arith.constant 96 : index
      %get3A_541 = tpu.vector_load %arg17[%get3A_539, %get3A_540] {strides = array<i32>} : memref<512x128xf32, #tpu.memory_space<vmem>>, vector<16xf32>,
      %mul3A_542 = arith.mulf %get3A_541, %get3A_31 : vector<16xf32>
      %add3A_543 = arith.addf %add3A_538, %mul3A_542 : vector<16xf32>
      %get3A_544 = arith.index_cast %add3A_509 : i32 to index
      %get3A_545 = arith.constant 112 : index
      %get3A_546 = tpu.vector_load %arg17[%get3A_544, %get3A_545] {strides = array<i32>} : memref<512x128xf32, #tpu.memory_space<vmem>>, vector<16xf32>,
      %mul3A_547 = arith.mulf %get3A_546, %get3A_33 : vector<16xf32>
      %add3A_548 = arith.addf %add3A_543, %mul3A_547 : vector<16xf32>
      %reduce_sum3A_549 = arith.constant true
      %reduce_sum3A_550 = vector.broadcast %reduce_sum3A_549 : i1 to vector<16xi1>
      %reduce_sum3A_551 = tpu.scan <sum>, %add3A_548 masked %reduce_sum3A_550 : vector<16xf32>, vector<16xi1> -> vector<16xf32>
      %reduce_sum3A_552 = vector.extract %reduce_sum3A_551[15] : f32 from vector<16xf32>
      %mul3A_553 = vector.broadcast %reduce_sum3A_552 : f32 to vector<16xf32>
      %mul3A_554 = arith.mulf %mul3A_553, %convert_element_type3A_76 : vector<16xf32>
      %add3A_555 = arith.addf %add3A_507, %mul3A_554 : vector<16xf32>
      %add3A_556 = arith.constant 9 : i32
      %add3A_557 = arith.addi %mul3A_119, %add3A_556 : i32
      %get3A_558 = arith.index_cast %add3A_557 : i32 to index
      %get3A_559 = arith.constant 0 : index
      %get3A_560 = tpu.vector_load %arg17[%get3A_558, %get3A_559] {strides = array<i32>} : memref<512x128xf32, #tpu.memory_space<vmem>>, vector<16xf32>,
      %mul3A_561 = arith.mulf %get3A_560, %get3A_19 : vector<16xf32>
      %get3A_562 = arith.index_cast %add3A_557 : i32 to index
      %get3A_563 = arith.constant 16 : index
      %get3A_564 = tpu.vector_load %arg17[%get3A_562, %get3A_563] {strides = array<i32>} : memref<512x128xf32, #tpu.memory_space<vmem>>, vector<16xf32>,
      %mul3A_565 = arith.mulf %get3A_564, %get3A_21 : vector<16xf32>
      %add3A_566 = arith.addf %mul3A_561, %mul3A_565 : vector<16xf32>
      %get3A_567 = arith.index_cast %add3A_557 : i32 to index
      %get3A_568 = arith.constant 32 : index
      %get3A_569 = tpu.vector_load %arg17[%get3A_567, %get3A_568] {strides = array<i32>} : memref<512x128xf32, #tpu.memory_space<vmem>>, vector<16xf32>,
      %mul3A_570 = arith.mulf %get3A_569, %get3A_23 : vector<16xf32>
      %add3A_571 = arith.addf %add3A_566, %mul3A_570 : vector<16xf32>
      %get3A_572 = arith.index_cast %add3A_557 : i32 to index
      %get3A_573 = arith.constant 48 : index
      %get3A_574 = tpu.vector_load %arg17[%get3A_572, %get3A_573] {strides = array<i32>} : memref<512x128xf32, #tpu.memory_space<vmem>>, vector<16xf32>,
      %mul3A_575 = arith.mulf %get3A_574, %get3A_25 : vector<16xf32>
      %add3A_576 = arith.addf %add3A_571, %mul3A_575 : vector<16xf32>
      %get3A_577 = arith.index_cast %add3A_557 : i32 to index
      %get3A_578 = arith.constant 64 : index
      %get3A_579 = tpu.vector_load %arg17[%get3A_577, %get3A_578] {strides = array<i32>} : memref<512x128xf32, #tpu.memory_space<vmem>>, vector<16xf32>,
      %mul3A_580 = arith.mulf %get3A_579, %get3A_27 : vector<16xf32>
      %add3A_581 = arith.addf %add3A_576, %mul3A_580 : vector<16xf32>
      %get3A_582 = arith.index_cast %add3A_557 : i32 to index
      %get3A_583 = arith.constant 80 : index
      %get3A_584 = tpu.vector_load %arg17[%get3A_582, %get3A_583] {strides = array<i32>} : memref<512x128xf32, #tpu.memory_space<vmem>>, vector<16xf32>,
      %mul3A_585 = arith.mulf %get3A_584, %get3A_29 : vector<16xf32>
      %add3A_586 = arith.addf %add3A_581, %mul3A_585 : vector<16xf32>
      %get3A_587 = arith.index_cast %add3A_557 : i32 to index
      %get3A_588 = arith.constant 96 : index
      %get3A_589 = tpu.vector_load %arg17[%get3A_587, %get3A_588] {strides = array<i32>} : memref<512x128xf32, #tpu.memory_space<vmem>>, vector<16xf32>,
      %mul3A_590 = arith.mulf %get3A_589, %get3A_31 : vector<16xf32>
      %add3A_591 = arith.addf %add3A_586, %mul3A_590 : vector<16xf32>
      %get3A_592 = arith.index_cast %add3A_557 : i32 to index
      %get3A_593 = arith.constant 112 : index
      %get3A_594 = tpu.vector_load %arg17[%get3A_592, %get3A_593] {strides = array<i32>} : memref<512x128xf32, #tpu.memory_space<vmem>>, vector<16xf32>,
      %mul3A_595 = arith.mulf %get3A_594, %get3A_33 : vector<16xf32>
      %add3A_596 = arith.addf %add3A_591, %mul3A_595 : vector<16xf32>
      %reduce_sum3A_597 = arith.constant true
      %reduce_sum3A_598 = vector.broadcast %reduce_sum3A_597 : i1 to vector<16xi1>
      %reduce_sum3A_599 = tpu.scan <sum>, %add3A_596 masked %reduce_sum3A_598 : vector<16xf32>, vector<16xi1> -> vector<16xf32>
      %reduce_sum3A_600 = vector.extract %reduce_sum3A_599[15] : f32 from vector<16xf32>
      %mul3A_601 = vector.broadcast %reduce_sum3A_600 : f32 to vector<16xf32>
      %mul3A_602 = arith.mulf %mul3A_601, %convert_element_type3A_81 : vector<16xf32>
      %add3A_603 = arith.addf %add3A_555, %mul3A_602 : vector<16xf32>
      %add3A_604 = arith.constant 10 : i32
      %add3A_605 = arith.addi %mul3A_119, %add3A_604 : i32
      %get3A_606 = arith.index_cast %add3A_605 : i32 to index
      %get3A_607 = arith.constant 0 : index
      %get3A_608 = tpu.vector_load %arg17[%get3A_606, %get3A_607] {strides = array<i32>} : memref<512x128xf32, #tpu.memory_space<vmem>>, vector<16xf32>,
      %mul3A_609 = arith.mulf %get3A_608, %get3A_19 : vector<16xf32>
      %get3A_610 = arith.index_cast %add3A_605 : i32 to index
      %get3A_611 = arith.constant 16 : index
      %get3A_612 = tpu.vector_load %arg17[%get3A_610, %get3A_611] {strides = array<i32>} : memref<512x128xf32, #tpu.memory_space<vmem>>, vector<16xf32>,
      %mul3A_613 = arith.mulf %get3A_612, %get3A_21 : vector<16xf32>
      %add3A_614 = arith.addf %mul3A_609, %mul3A_613 : vector<16xf32>
      %get3A_615 = arith.index_cast %add3A_605 : i32 to index
      %get3A_616 = arith.constant 32 : index
      %get3A_617 = tpu.vector_load %arg17[%get3A_615, %get3A_616] {strides = array<i32>} : memref<512x128xf32, #tpu.memory_space<vmem>>, vector<16xf32>,
      %mul3A_618 = arith.mulf %get3A_617, %get3A_23 : vector<16xf32>
      %add3A_619 = arith.addf %add3A_614, %mul3A_618 : vector<16xf32>
      %get3A_620 = arith.index_cast %add3A_605 : i32 to index
      %get3A_621 = arith.constant 48 : index
      %get3A_622 = tpu.vector_load %arg17[%get3A_620, %get3A_621] {strides = array<i32>} : memref<512x128xf32, #tpu.memory_space<vmem>>, vector<16xf32>,
      %mul3A_623 = arith.mulf %get3A_622, %get3A_25 : vector<16xf32>
      %add3A_624 = arith.addf %add3A_619, %mul3A_623 : vector<16xf32>
      %get3A_625 = arith.index_cast %add3A_605 : i32 to index
      %get3A_626 = arith.constant 64 : index
      %get3A_627 = tpu.vector_load %arg17[%get3A_625, %get3A_626] {strides = array<i32>} : memref<512x128xf32, #tpu.memory_space<vmem>>, vector<16xf32>,
      %mul3A_628 = arith.mulf %get3A_627, %get3A_27 : vector<16xf32>
      %add3A_629 = arith.addf %add3A_624, %mul3A_628 : vector<16xf32>
      %get3A_630 = arith.index_cast %add3A_605 : i32 to index
      %get3A_631 = arith.constant 80 : index
      %get3A_632 = tpu.vector_load %arg17[%get3A_630, %get3A_631] {strides = array<i32>} : memref<512x128xf32, #tpu.memory_space<vmem>>, vector<16xf32>,
      %mul3A_633 = arith.mulf %get3A_632, %get3A_29 : vector<16xf32>
      %add3A_634 = arith.addf %add3A_629, %mul3A_633 : vector<16xf32>
      %get3A_635 = arith.index_cast %add3A_605 : i32 to index
      %get3A_636 = arith.constant 96 : index
      %get3A_637 = tpu.vector_load %arg17[%get3A_635, %get3A_636] {strides = array<i32>} : memref<512x128xf32, #tpu.memory_space<vmem>>, vector<16xf32>,
      %mul3A_638 = arith.mulf %get3A_637, %get3A_31 : vector<16xf32>
      %add3A_639 = arith.addf %add3A_634, %mul3A_638 : vector<16xf32>
      %get3A_640 = arith.index_cast %add3A_605 : i32 to index
      %get3A_641 = arith.constant 112 : index
      %get3A_642 = tpu.vector_load %arg17[%get3A_640, %get3A_641] {strides = array<i32>} : memref<512x128xf32, #tpu.memory_space<vmem>>, vector<16xf32>,
      %mul3A_643 = arith.mulf %get3A_642, %get3A_33 : vector<16xf32>
      %add3A_644 = arith.addf %add3A_639, %mul3A_643 : vector<16xf32>
      %reduce_sum3A_645 = arith.constant true
      %reduce_sum3A_646 = vector.broadcast %reduce_sum3A_645 : i1 to vector<16xi1>
      %reduce_sum3A_647 = tpu.scan <sum>, %add3A_644 masked %reduce_sum3A_646 : vector<16xf32>, vector<16xi1> -> vector<16xf32>
      %reduce_sum3A_648 = vector.extract %reduce_sum3A_647[15] : f32 from vector<16xf32>
      %mul3A_649 = vector.broadcast %reduce_sum3A_648 : f32 to vector<16xf32>
      %mul3A_650 = arith.mulf %mul3A_649, %convert_element_type3A_86 : vector<16xf32>
      %add3A_651 = arith.addf %add3A_603, %mul3A_650 : vector<16xf32>
      %add3A_652 = arith.constant 11 : i32
      %add3A_653 = arith.addi %mul3A_119, %add3A_652 : i32
      %get3A_654 = arith.index_cast %add3A_653 : i32 to index
      %get3A_655 = arith.constant 0 : index
      %get3A_656 = tpu.vector_load %arg17[%get3A_654, %get3A_655] {strides = array<i32>} : memref<512x128xf32, #tpu.memory_space<vmem>>, vector<16xf32>,
      %mul3A_657 = arith.mulf %get3A_656, %get3A_19 : vector<16xf32>
      %get3A_658 = arith.index_cast %add3A_653 : i32 to index
      %get3A_659 = arith.constant 16 : index
      %get3A_660 = tpu.vector_load %arg17[%get3A_658, %get3A_659] {strides = array<i32>} : memref<512x128xf32, #tpu.memory_space<vmem>>, vector<16xf32>,
      %mul3A_661 = arith.mulf %get3A_660, %get3A_21 : vector<16xf32>
      %add3A_662 = arith.addf %mul3A_657, %mul3A_661 : vector<16xf32>
      %get3A_663 = arith.index_cast %add3A_653 : i32 to index
      %get3A_664 = arith.constant 32 : index
      %get3A_665 = tpu.vector_load %arg17[%get3A_663, %get3A_664] {strides = array<i32>} : memref<512x128xf32, #tpu.memory_space<vmem>>, vector<16xf32>,
      %mul3A_666 = arith.mulf %get3A_665, %get3A_23 : vector<16xf32>
      %add3A_667 = arith.addf %add3A_662, %mul3A_666 : vector<16xf32>
      %get3A_668 = arith.index_cast %add3A_653 : i32 to index
      %get3A_669 = arith.constant 48 : index
      %get3A_670 = tpu.vector_load %arg17[%get3A_668, %get3A_669] {strides = array<i32>} : memref<512x128xf32, #tpu.memory_space<vmem>>, vector<16xf32>,
      %mul3A_671 = arith.mulf %get3A_670, %get3A_25 : vector<16xf32>
      %add3A_672 = arith.addf %add3A_667, %mul3A_671 : vector<16xf32>
      %get3A_673 = arith.index_cast %add3A_653 : i32 to index
      %get3A_674 = arith.constant 64 : index
      %get3A_675 = tpu.vector_load %arg17[%get3A_673, %get3A_674] {strides = array<i32>} : memref<512x128xf32, #tpu.memory_space<vmem>>, vector<16xf32>,
      %mul3A_676 = arith.mulf %get3A_675, %get3A_27 : vector<16xf32>
      %add3A_677 = arith.addf %add3A_672, %mul3A_676 : vector<16xf32>
      %get3A_678 = arith.index_cast %add3A_653 : i32 to index
      %get3A_679 = arith.constant 80 : index
      %get3A_680 = tpu.vector_load %arg17[%get3A_678, %get3A_679] {strides = array<i32>} : memref<512x128xf32, #tpu.memory_space<vmem>>, vector<16xf32>,
      %mul3A_681 = arith.mulf %get3A_680, %get3A_29 : vector<16xf32>
      %add3A_682 = arith.addf %add3A_677, %mul3A_681 : vector<16xf32>
      %get3A_683 = arith.index_cast %add3A_653 : i32 to index
      %get3A_684 = arith.constant 96 : index
      %get3A_685 = tpu.vector_load %arg17[%get3A_683, %get3A_684] {strides = array<i32>} : memref<512x128xf32, #tpu.memory_space<vmem>>, vector<16xf32>,
      %mul3A_686 = arith.mulf %get3A_685, %get3A_31 : vector<16xf32>
      %add3A_687 = arith.addf %add3A_682, %mul3A_686 : vector<16xf32>
      %get3A_688 = arith.index_cast %add3A_653 : i32 to index
      %get3A_689 = arith.constant 112 : index
      %get3A_690 = tpu.vector_load %arg17[%get3A_688, %get3A_689] {strides = array<i32>} : memref<512x128xf32, #tpu.memory_space<vmem>>, vector<16xf32>,
      %mul3A_691 = arith.mulf %get3A_690, %get3A_33 : vector<16xf32>
      %add3A_692 = arith.addf %add3A_687, %mul3A_691 : vector<16xf32>
      %reduce_sum3A_693 = arith.constant true
      %reduce_sum3A_694 = vector.broadcast %reduce_sum3A_693 : i1 to vector<16xi1>
      %reduce_sum3A_695 = tpu.scan <sum>, %add3A_692 masked %reduce_sum3A_694 : vector<16xf32>, vector<16xi1> -> vector<16xf32>
      %reduce_sum3A_696 = vector.extract %reduce_sum3A_695[15] : f32 from vector<16xf32>
      %mul3A_697 = vector.broadcast %reduce_sum3A_696 : f32 to vector<16xf32>
      %mul3A_698 = arith.mulf %mul3A_697, %convert_element_type3A_91 : vector<16xf32>
      %add3A_699 = arith.addf %add3A_651, %mul3A_698 : vector<16xf32>
      %add3A_700 = arith.constant 12 : i32
      %add3A_701 = arith.addi %mul3A_119, %add3A_700 : i32
      %get3A_702 = arith.index_cast %add3A_701 : i32 to index
      %get3A_703 = arith.constant 0 : index
      %get3A_704 = tpu.vector_load %arg17[%get3A_702, %get3A_703] {strides = array<i32>} : memref<512x128xf32, #tpu.memory_space<vmem>>, vector<16xf32>,
      %mul3A_705 = arith.mulf %get3A_704, %get3A_19 : vector<16xf32>
      %get3A_706 = arith.index_cast %add3A_701 : i32 to index
      %get3A_707 = arith.constant 16 : index
      %get3A_708 = tpu.vector_load %arg17[%get3A_706, %get3A_707] {strides = array<i32>} : memref<512x128xf32, #tpu.memory_space<vmem>>, vector<16xf32>,
      %mul3A_709 = arith.mulf %get3A_708, %get3A_21 : vector<16xf32>
      %add3A_710 = arith.addf %mul3A_705, %mul3A_709 : vector<16xf32>
      %get3A_711 = arith.index_cast %add3A_701 : i32 to index
      %get3A_712 = arith.constant 32 : index
      %get3A_713 = tpu.vector_load %arg17[%get3A_711, %get3A_712] {strides = array<i32>} : memref<512x128xf32, #tpu.memory_space<vmem>>, vector<16xf32>,
      %mul3A_714 = arith.mulf %get3A_713, %get3A_23 : vector<16xf32>
      %add3A_715 = arith.addf %add3A_710, %mul3A_714 : vector<16xf32>
      %get3A_716 = arith.index_cast %add3A_701 : i32 to index
      %get3A_717 = arith.constant 48 : index
      %get3A_718 = tpu.vector_load %arg17[%get3A_716, %get3A_717] {strides = array<i32>} : memref<512x128xf32, #tpu.memory_space<vmem>>, vector<16xf32>,
      %mul3A_719 = arith.mulf %get3A_718, %get3A_25 : vector<16xf32>
      %add3A_720 = arith.addf %add3A_715, %mul3A_719 : vector<16xf32>
      %get3A_721 = arith.index_cast %add3A_701 : i32 to index
      %get3A_722 = arith.constant 64 : index
      %get3A_723 = tpu.vector_load %arg17[%get3A_721, %get3A_722] {strides = array<i32>} : memref<512x128xf32, #tpu.memory_space<vmem>>, vector<16xf32>,
      %mul3A_724 = arith.mulf %get3A_723, %get3A_27 : vector<16xf32>
      %add3A_725 = arith.addf %add3A_720, %mul3A_724 : vector<16xf32>
      %get3A_726 = arith.index_cast %add3A_701 : i32 to index
      %get3A_727 = arith.constant 80 : index
      %get3A_728 = tpu.vector_load %arg17[%get3A_726, %get3A_727] {strides = array<i32>} : memref<512x128xf32, #tpu.memory_space<vmem>>, vector<16xf32>,
      %mul3A_729 = arith.mulf %get3A_728, %get3A_29 : vector<16xf32>
      %add3A_730 = arith.addf %add3A_725, %mul3A_729 : vector<16xf32>
      %get3A_731 = arith.index_cast %add3A_701 : i32 to index
      %get3A_732 = arith.constant 96 : index
      %get3A_733 = tpu.vector_load %arg17[%get3A_731, %get3A_732] {strides = array<i32>} : memref<512x128xf32, #tpu.memory_space<vmem>>, vector<16xf32>,
      %mul3A_734 = arith.mulf %get3A_733, %get3A_31 : vector<16xf32>
      %add3A_735 = arith.addf %add3A_730, %mul3A_734 : vector<16xf32>
      %get3A_736 = arith.index_cast %add3A_701 : i32 to index
      %get3A_737 = arith.constant 112 : index
      %get3A_738 = tpu.vector_load %arg17[%get3A_736, %get3A_737] {strides = array<i32>} : memref<512x128xf32, #tpu.memory_space<vmem>>, vector<16xf32>,
      %mul3A_739 = arith.mulf %get3A_738, %get3A_33 : vector<16xf32>
      %add3A_740 = arith.addf %add3A_735, %mul3A_739 : vector<16xf32>
      %reduce_sum3A_741 = arith.constant true
      %reduce_sum3A_742 = vector.broadcast %reduce_sum3A_741 : i1 to vector<16xi1>
      %reduce_sum3A_743 = tpu.scan <sum>, %add3A_740 masked %reduce_sum3A_742 : vector<16xf32>, vector<16xi1> -> vector<16xf32>
      %reduce_sum3A_744 = vector.extract %reduce_sum3A_743[15] : f32 from vector<16xf32>
      %mul3A_745 = vector.broadcast %reduce_sum3A_744 : f32 to vector<16xf32>
      %mul3A_746 = arith.mulf %mul3A_745, %convert_element_type3A_96 : vector<16xf32>
      %add3A_747 = arith.addf %add3A_699, %mul3A_746 : vector<16xf32>
      %add3A_748 = arith.constant 13 : i32
      %add3A_749 = arith.addi %mul3A_119, %add3A_748 : i32
      %get3A_750 = arith.index_cast %add3A_749 : i32 to index
      %get3A_751 = arith.constant 0 : index
      %get3A_752 = tpu.vector_load %arg17[%get3A_750, %get3A_751] {strides = array<i32>} : memref<512x128xf32, #tpu.memory_space<vmem>>, vector<16xf32>,
      %mul3A_753 = arith.mulf %get3A_752, %get3A_19 : vector<16xf32>
      %get3A_754 = arith.index_cast %add3A_749 : i32 to index
      %get3A_755 = arith.constant 16 : index
      %get3A_756 = tpu.vector_load %arg17[%get3A_754, %get3A_755] {strides = array<i32>} : memref<512x128xf32, #tpu.memory_space<vmem>>, vector<16xf32>,
      %mul3A_757 = arith.mulf %get3A_756, %get3A_21 : vector<16xf32>
      %add3A_758 = arith.addf %mul3A_753, %mul3A_757 : vector<16xf32>
      %get3A_759 = arith.index_cast %add3A_749 : i32 to index
      %get3A_760 = arith.constant 32 : index
      %get3A_761 = tpu.vector_load %arg17[%get3A_759, %get3A_760] {strides = array<i32>} : memref<512x128xf32, #tpu.memory_space<vmem>>, vector<16xf32>,
      %mul3A_762 = arith.mulf %get3A_761, %get3A_23 : vector<16xf32>
      %add3A_763 = arith.addf %add3A_758, %mul3A_762 : vector<16xf32>
      %get3A_764 = arith.index_cast %add3A_749 : i32 to index
      %get3A_765 = arith.constant 48 : index
      %get3A_766 = tpu.vector_load %arg17[%get3A_764, %get3A_765] {strides = array<i32>} : memref<512x128xf32, #tpu.memory_space<vmem>>, vector<16xf32>,
      %mul3A_767 = arith.mulf %get3A_766, %get3A_25 : vector<16xf32>
      %add3A_768 = arith.addf %add3A_763, %mul3A_767 : vector<16xf32>
      %get3A_769 = arith.index_cast %add3A_749 : i32 to index
      %get3A_770 = arith.constant 64 : index
      %get3A_771 = tpu.vector_load %arg17[%get3A_769, %get3A_770] {strides = array<i32>} : memref<512x128xf32, #tpu.memory_space<vmem>>, vector<16xf32>,
      %mul3A_772 = arith.mulf %get3A_771, %get3A_27 : vector<16xf32>
      %add3A_773 = arith.addf %add3A_768, %mul3A_772 : vector<16xf32>
      %get3A_774 = arith.index_cast %add3A_749 : i32 to index
      %get3A_775 = arith.constant 80 : index
      %get3A_776 = tpu.vector_load %arg17[%get3A_774, %get3A_775] {strides = array<i32>} : memref<512x128xf32, #tpu.memory_space<vmem>>, vector<16xf32>,
      %mul3A_777 = arith.mulf %get3A_776, %get3A_29 : vector<16xf32>
      %add3A_778 = arith.addf %add3A_773, %mul3A_777 : vector<16xf32>
      %get3A_779 = arith.index_cast %add3A_749 : i32 to index
      %get3A_780 = arith.constant 96 : index
      %get3A_781 = tpu.vector_load %arg17[%get3A_779, %get3A_780] {strides = array<i32>} : memref<512x128xf32, #tpu.memory_space<vmem>>, vector<16xf32>,
      %mul3A_782 = arith.mulf %get3A_781, %get3A_31 : vector<16xf32>
      %add3A_783 = arith.addf %add3A_778, %mul3A_782 : vector<16xf32>
      %get3A_784 = arith.index_cast %add3A_749 : i32 to index
      %get3A_785 = arith.constant 112 : index
      %get3A_786 = tpu.vector_load %arg17[%get3A_784, %get3A_785] {strides = array<i32>} : memref<512x128xf32, #tpu.memory_space<vmem>>, vector<16xf32>,
      %mul3A_787 = arith.mulf %get3A_786, %get3A_33 : vector<16xf32>
      %add3A_788 = arith.addf %add3A_783, %mul3A_787 : vector<16xf32>
      %reduce_sum3A_789 = arith.constant true
      %reduce_sum3A_790 = vector.broadcast %reduce_sum3A_789 : i1 to vector<16xi1>
      %reduce_sum3A_791 = tpu.scan <sum>, %add3A_788 masked %reduce_sum3A_790 : vector<16xf32>, vector<16xi1> -> vector<16xf32>
      %reduce_sum3A_792 = vector.extract %reduce_sum3A_791[15] : f32 from vector<16xf32>
      %mul3A_793 = vector.broadcast %reduce_sum3A_792 : f32 to vector<16xf32>
      %mul3A_794 = arith.mulf %mul3A_793, %convert_element_type3A_101 : vector<16xf32>
      %add3A_795 = arith.addf %add3A_747, %mul3A_794 : vector<16xf32>
      %add3A_796 = arith.constant 14 : i32
      %add3A_797 = arith.addi %mul3A_119, %add3A_796 : i32
      %get3A_798 = arith.index_cast %add3A_797 : i32 to index
      %get3A_799 = arith.constant 0 : index
      %get3A_800 = tpu.vector_load %arg17[%get3A_798, %get3A_799] {strides = array<i32>} : memref<512x128xf32, #tpu.memory_space<vmem>>, vector<16xf32>,
      %mul3A_801 = arith.mulf %get3A_800, %get3A_19 : vector<16xf32>
      %get3A_802 = arith.index_cast %add3A_797 : i32 to index
      %get3A_803 = arith.constant 16 : index
      %get3A_804 = tpu.vector_load %arg17[%get3A_802, %get3A_803] {strides = array<i32>} : memref<512x128xf32, #tpu.memory_space<vmem>>, vector<16xf32>,
      %mul3A_805 = arith.mulf %get3A_804, %get3A_21 : vector<16xf32>
      %add3A_806 = arith.addf %mul3A_801, %mul3A_805 : vector<16xf32>
      %get3A_807 = arith.index_cast %add3A_797 : i32 to index
      %get3A_808 = arith.constant 32 : index
      %get3A_809 = tpu.vector_load %arg17[%get3A_807, %get3A_808] {strides = array<i32>} : memref<512x128xf32, #tpu.memory_space<vmem>>, vector<16xf32>,
      %mul3A_810 = arith.mulf %get3A_809, %get3A_23 : vector<16xf32>
      %add3A_811 = arith.addf %add3A_806, %mul3A_810 : vector<16xf32>
      %get3A_812 = arith.index_cast %add3A_797 : i32 to index
      %get3A_813 = arith.constant 48 : index
      %get3A_814 = tpu.vector_load %arg17[%get3A_812, %get3A_813] {strides = array<i32>} : memref<512x128xf32, #tpu.memory_space<vmem>>, vector<16xf32>,
      %mul3A_815 = arith.mulf %get3A_814, %get3A_25 : vector<16xf32>
      %add3A_816 = arith.addf %add3A_811, %mul3A_815 : vector<16xf32>
      %get3A_817 = arith.index_cast %add3A_797 : i32 to index
      %get3A_818 = arith.constant 64 : index
      %get3A_819 = tpu.vector_load %arg17[%get3A_817, %get3A_818] {strides = array<i32>} : memref<512x128xf32, #tpu.memory_space<vmem>>, vector<16xf32>,
      %mul3A_820 = arith.mulf %get3A_819, %get3A_27 : vector<16xf32>
      %add3A_821 = arith.addf %add3A_816, %mul3A_820 : vector<16xf32>
      %get3A_822 = arith.index_cast %add3A_797 : i32 to index
      %get3A_823 = arith.constant 80 : index
      %get3A_824 = tpu.vector_load %arg17[%get3A_822, %get3A_823] {strides = array<i32>} : memref<512x128xf32, #tpu.memory_space<vmem>>, vector<16xf32>,
      %mul3A_825 = arith.mulf %get3A_824, %get3A_29 : vector<16xf32>
      %add3A_826 = arith.addf %add3A_821, %mul3A_825 : vector<16xf32>
      %get3A_827 = arith.index_cast %add3A_797 : i32 to index
      %get3A_828 = arith.constant 96 : index
      %get3A_829 = tpu.vector_load %arg17[%get3A_827, %get3A_828] {strides = array<i32>} : memref<512x128xf32, #tpu.memory_space<vmem>>, vector<16xf32>,
      %mul3A_830 = arith.mulf %get3A_829, %get3A_31 : vector<16xf32>
      %add3A_831 = arith.addf %add3A_826, %mul3A_830 : vector<16xf32>
      %get3A_832 = arith.index_cast %add3A_797 : i32 to index
      %get3A_833 = arith.constant 112 : index
      %get3A_834 = tpu.vector_load %arg17[%get3A_832, %get3A_833] {strides = array<i32>} : memref<512x128xf32, #tpu.memory_space<vmem>>, vector<16xf32>,
      %mul3A_835 = arith.mulf %get3A_834, %get3A_33 : vector<16xf32>
      %add3A_836 = arith.addf %add3A_831, %mul3A_835 : vector<16xf32>
      %reduce_sum3A_837 = arith.constant true
      %reduce_sum3A_838 = vector.broadcast %reduce_sum3A_837 : i1 to vector<16xi1>
      %reduce_sum3A_839 = tpu.scan <sum>, %add3A_836 masked %reduce_sum3A_838 : vector<16xf32>, vector<16xi1> -> vector<16xf32>
      %reduce_sum3A_840 = vector.extract %reduce_sum3A_839[15] : f32 from vector<16xf32>
      %mul3A_841 = vector.broadcast %reduce_sum3A_840 : f32 to vector<16xf32>
      %mul3A_842 = arith.mulf %mul3A_841, %convert_element_type3A_106 : vector<16xf32>
      %add3A_843 = arith.addf %add3A_795, %mul3A_842 : vector<16xf32>
      %add3A_844 = arith.constant 15 : i32
      %add3A_845 = arith.addi %mul3A_119, %add3A_844 : i32
      %get3A_846 = arith.index_cast %add3A_845 : i32 to index
      %get3A_847 = arith.constant 0 : index
      %get3A_848 = tpu.vector_load %arg17[%get3A_846, %get3A_847] {strides = array<i32>} : memref<512x128xf32, #tpu.memory_space<vmem>>, vector<16xf32>,
      %mul3A_849 = arith.mulf %get3A_848, %get3A_19 : vector<16xf32>
      %get3A_850 = arith.index_cast %add3A_845 : i32 to index
      %get3A_851 = arith.constant 16 : index
      %get3A_852 = tpu.vector_load %arg17[%get3A_850, %get3A_851] {strides = array<i32>} : memref<512x128xf32, #tpu.memory_space<vmem>>, vector<16xf32>,
      %mul3A_853 = arith.mulf %get3A_852, %get3A_21 : vector<16xf32>
      %add3A_854 = arith.addf %mul3A_849, %mul3A_853 : vector<16xf32>
      %get3A_855 = arith.index_cast %add3A_845 : i32 to index
      %get3A_856 = arith.constant 32 : index
      %get3A_857 = tpu.vector_load %arg17[%get3A_855, %get3A_856] {strides = array<i32>} : memref<512x128xf32, #tpu.memory_space<vmem>>, vector<16xf32>,
      %mul3A_858 = arith.mulf %get3A_857, %get3A_23 : vector<16xf32>
      %add3A_859 = arith.addf %add3A_854, %mul3A_858 : vector<16xf32>
      %get3A_860 = arith.index_cast %add3A_845 : i32 to index
      %get3A_861 = arith.constant 48 : index
      %get3A_862 = tpu.vector_load %arg17[%get3A_860, %get3A_861] {strides = array<i32>} : memref<512x128xf32, #tpu.memory_space<vmem>>, vector<16xf32>,
      %mul3A_863 = arith.mulf %get3A_862, %get3A_25 : vector<16xf32>
      %add3A_864 = arith.addf %add3A_859, %mul3A_863 : vector<16xf32>
      %get3A_865 = arith.index_cast %add3A_845 : i32 to index
      %get3A_866 = arith.constant 64 : index
      %get3A_867 = tpu.vector_load %arg17[%get3A_865, %get3A_866] {strides = array<i32>} : memref<512x128xf32, #tpu.memory_space<vmem>>, vector<16xf32>,
      %mul3A_868 = arith.mulf %get3A_867, %get3A_27 : vector<16xf32>
      %add3A_869 = arith.addf %add3A_864, %mul3A_868 : vector<16xf32>
      %get3A_870 = arith.index_cast %add3A_845 : i32 to index
      %get3A_871 = arith.constant 80 : index
      %get3A_872 = tpu.vector_load %arg17[%get3A_870, %get3A_871] {strides = array<i32>} : memref<512x128xf32, #tpu.memory_space<vmem>>, vector<16xf32>,
      %mul3A_873 = arith.mulf %get3A_872, %get3A_29 : vector<16xf32>
      %add3A_874 = arith.addf %add3A_869, %mul3A_873 : vector<16xf32>
      %get3A_875 = arith.index_cast %add3A_845 : i32 to index
      %get3A_876 = arith.constant 96 : index
      %get3A_877 = tpu.vector_load %arg17[%get3A_875, %get3A_876] {strides = array<i32>} : memref<512x128xf32, #tpu.memory_space<vmem>>, vector<16xf32>,
      %mul3A_878 = arith.mulf %get3A_877, %get3A_31 : vector<16xf32>
      %add3A_879 = arith.addf %add3A_874, %mul3A_878 : vector<16xf32>
      %get3A_880 = arith.index_cast %add3A_845 : i32 to index
      %get3A_881 = arith.constant 112 : index
      %get3A_882 = tpu.vector_load %arg17[%get3A_880, %get3A_881] {strides = array<i32>} : memref<512x128xf32, #tpu.memory_space<vmem>>, vector<16xf32>,
      %mul3A_883 = arith.mulf %get3A_882, %get3A_33 : vector<16xf32>
      %add3A_884 = arith.addf %add3A_879, %mul3A_883 : vector<16xf32>
      %reduce_sum3A_885 = arith.constant true
      %reduce_sum3A_886 = vector.broadcast %reduce_sum3A_885 : i1 to vector<16xi1>
      %reduce_sum3A_887 = tpu.scan <sum>, %add3A_884 masked %reduce_sum3A_886 : vector<16xf32>, vector<16xi1> -> vector<16xf32>
      %reduce_sum3A_888 = vector.extract %reduce_sum3A_887[15] : f32 from vector<16xf32>
      %mul3A_889 = vector.broadcast %reduce_sum3A_888 : f32 to vector<16xf32>
      %mul3A_890 = arith.mulf %mul3A_889, %convert_element_type3A_111 : vector<16xf32>
      %add3A_891 = arith.addf %add3A_843, %mul3A_890 : vector<16xf32>
      %swap3A = arith.index_cast %mul3A_119 : i32 to index
      %swap3A_892 = tpu.vector_load %arg22[%swap3A] {strides = array<i32>} : memref<512xf32, #tpu.memory_space<vmem>>, vector<16xf32>,
      tpu.vector_store %arg22[%swap3A], %add3A_891 {strides = array<i32>} : memref<512xf32, #tpu.memory_space<vmem>>, vector<16xf32>,
      %get3A_893 = arith.index_cast %mul3A_119 : i32 to index
      %get3A_894 = tpu.vector_load %arg20[%get3A_893] {strides = array<i32>} : memref<512xf32, #tpu.memory_space<vmem>>, vector<16xf32>,
      %add3A_895 = arith.addf %add3A_891, %get3A_894 : vector<16xf32>
      %swap3A_896 = arith.index_cast %mul3A_119 : i32 to index
      %swap3A_897 = tpu.vector_load %arg23[%swap3A_896] {strides = array<i32>} : memref<512xf32, #tpu.memory_space<vmem>>, vector<16xf32>,
      tpu.vector_store %arg23[%swap3A_896], %add3A_895 {strides = array<i32>} : memref<512xf32, #tpu.memory_space<vmem>>, vector<16xf32>,
    }
    %scan3A_116 = arith.constant 32 : i32
    "tpu.region"() ({
      %run_scoped3A_117 = tpu.sem_alloc : memref<!tpu.dma_semaphore, #tpu.memory_space<semaphore_mem>>
      %dma_start3A_118 = tpu.memref_slice %arg11[%mul3A_2] : memref<16384xf32, #tpu.memory_space<hbm>> -> memref<512xf32, #tpu.memory_space<hbm>>
      %dma_start3A_119 = tpu.memref_slice %arg11[%mul3A_2] : memref<16384xf32, #tpu.memory_space<hbm>> -> memref<512xf32, #tpu.memory_space<hbm>>
      tpu.enqueue_dma source(%arg22 : memref<512xf32, #tpu.memory_space<vmem>>) target(%dma_start3A_119 : memref<512xf32, #tpu.memory_space<hbm>>) target_semaphore(%run_scoped3A_117 : memref<!tpu.dma_semaphore, #tpu.memory_space<semaphore_mem>>)
      %dma_wait3A_120 = tpu.memref_slice %arg11[%mul3A_2] : memref<16384xf32, #tpu.memory_space<hbm>> -> memref<512xf32, #tpu.memory_space<hbm>>
      %dma_wait3A_121 = tpu.memref_slice %arg11[%mul3A_2] : memref<16384xf32, #tpu.memory_space<hbm>> -> memref<512xf32, #tpu.memory_space<hbm>>
      tpu.wait_dma2 semaphore(%run_scoped3A_117 : memref<!tpu.dma_semaphore, #tpu.memory_space<semaphore_mem>>) src(%arg22 : memref<512xf32, #tpu.memory_space<vmem>>) dst(%dma_wait3A_121 : memref<512xf32, #tpu.memory_space<hbm>>)
      tpu.yield
    }) : () -> ()
    "tpu.region"() ({
      %run_scoped3A_117 = tpu.sem_alloc : memref<!tpu.dma_semaphore, #tpu.memory_space<semaphore_mem>>
      %dma_start3A_118 = tpu.memref_slice %arg12[%mul3A_2] : memref<16384xf32, #tpu.memory_space<hbm>> -> memref<512xf32, #tpu.memory_space<hbm>>
      %dma_start3A_119 = tpu.memref_slice %arg12[%mul3A_2] : memref<16384xf32, #tpu.memory_space<hbm>> -> memref<512xf32, #tpu.memory_space<hbm>>
      tpu.enqueue_dma source(%arg23 : memref<512xf32, #tpu.memory_space<vmem>>) target(%dma_start3A_119 : memref<512xf32, #tpu.memory_space<hbm>>) target_semaphore(%run_scoped3A_117 : memref<!tpu.dma_semaphore, #tpu.memory_space<semaphore_mem>>)
      %dma_wait3A_120 = tpu.memref_slice %arg12[%mul3A_2] : memref<16384xf32, #tpu.memory_space<hbm>> -> memref<512xf32, #tpu.memory_space<hbm>>
      %dma_wait3A_121 = tpu.memref_slice %arg12[%mul3A_2] : memref<16384xf32, #tpu.memory_space<hbm>> -> memref<512xf32, #tpu.memory_space<hbm>>
      tpu.wait_dma2 semaphore(%run_scoped3A_117 : memref<!tpu.dma_semaphore, #tpu.memory_space<semaphore_mem>>) src(%arg23 : memref<512xf32, #tpu.memory_space<vmem>>) dst(%dma_wait3A_121 : memref<512xf32, #tpu.memory_space<hbm>>)
      tpu.yield
    }) : () -> ()
    return
  }
}

module attributes {stable_mosaic.version = 14 : i64} {
  func.func @_tc_body(%arg0: memref<128x128xf32, #tpu.memory_space<vmem>>, %arg1: memref<128x128xf32, #tpu.memory_space<vmem>>, %arg2: memref<128x128xf32, #tpu.memory_space<vmem>>, %arg3: memref<128x128xf32, #tpu.memory_space<vmem>>, %arg4: memref<128x128xf32, #tpu.memory_space<vmem>>, %arg5: memref<2xf32, #tpu.memory_space<smem>>, %arg6: memref<128x128xf32, #tpu.memory_space<vmem>>, %arg7: memref<128x128xf32, #tpu.memory_space<vmem>>, %arg8: memref<1x1xf32, #tpu.memory_space<vmem>>) attributes {dimension_semantics = [], scalar_prefetch = 0 : i64, scratch_operands = 0 : i64, tpu.core_type = #tpu.core_type<tc>} {
    %get3A = arith.constant 0 : index
    %get3A_0 = arith.constant 0 : index
    %get3A_1 = vector.load %arg0[%get3A, %get3A_0] : memref<128x128xf32, #tpu.memory_space<vmem>>, vector<128x128xf32>
    %get3A_2 = arith.constant 0 : index
    %get3A_3 = arith.constant 0 : index
    %get3A_4 = vector.load %arg4[%get3A_2, %get3A_3] : memref<128x128xf32, #tpu.memory_space<vmem>>, vector<128x128xf32>
    %reduce_sum3A = vector.shape_cast %get3A_1 : vector<128x128xf32> to vector<1x128x128xf32>
    %reduce_sum3A_5 = arith.constant dense<0.000000e+00> : vector<1xf32>
    %reduce_sum3A_6 = vector.multi_reduction <add>, %reduce_sum3A, %reduce_sum3A_5 [1, 2] : vector<1x128x128xf32> to vector<1xf32>
    %reduce_sum3A_7 = vector.shape_cast %reduce_sum3A_6 : vector<1xf32> to vector<1x1x1xf32>
    %reduce_sum3A_8 = vector.extract %reduce_sum3A_7[0, 0, 0] : f32 from vector<1x1x1xf32>
    %div3A = arith.constant 1.638400e+04 : f32
    %div3A_9 = arith.divf %reduce_sum3A_8, %div3A : f32
    %sub3A = vector.broadcast %div3A_9 : f32 to vector<128x128xf32>
    %sub3A_10 = arith.subf %get3A_1, %sub3A : vector<128x128xf32>
    %integer_pow3A = arith.mulf %sub3A_10, %sub3A_10 : vector<128x128xf32>
    %reduce_sum3A_11 = vector.shape_cast %integer_pow3A : vector<128x128xf32> to vector<1x128x128xf32>
    %reduce_sum3A_12 = arith.constant dense<0.000000e+00> : vector<1xf32>
    %reduce_sum3A_13 = vector.multi_reduction <add>, %reduce_sum3A_11, %reduce_sum3A_12 [1, 2] : vector<1x128x128xf32> to vector<1xf32>
    %reduce_sum3A_14 = vector.shape_cast %reduce_sum3A_13 : vector<1xf32> to vector<1x1x1xf32>
    %reduce_sum3A_15 = vector.extract %reduce_sum3A_14[0, 0, 0] : f32 from vector<1x1x1xf32>
    %div3A_16 = arith.constant 1.638400e+04 : f32
    %div3A_17 = arith.divf %reduce_sum3A_15, %div3A_16 : f32
    %reduce_sum3A_18 = vector.shape_cast %get3A_4 : vector<128x128xf32> to vector<1x128x128xf32>
    %reduce_sum3A_19 = arith.constant dense<0.000000e+00> : vector<1xf32>
    %reduce_sum3A_20 = vector.multi_reduction <add>, %reduce_sum3A_18, %reduce_sum3A_19 [1, 2] : vector<1x128x128xf32> to vector<1xf32>
    %reduce_sum3A_21 = vector.shape_cast %reduce_sum3A_20 : vector<1xf32> to vector<1x1x1xf32>
    %reduce_sum3A_22 = vector.extract %reduce_sum3A_21[0, 0, 0] : f32 from vector<1x1x1xf32>
    %div3A_23 = arith.constant 1.638400e+04 : f32
    %div3A_24 = arith.divf %reduce_sum3A_22, %div3A_23 : f32
    %sub3A_25 = vector.broadcast %div3A_24 : f32 to vector<128x128xf32>
    %sub3A_26 = arith.subf %get3A_4, %sub3A_25 : vector<128x128xf32>
    %integer_pow3A_27 = arith.mulf %sub3A_26, %sub3A_26 : vector<128x128xf32>
    %reduce_sum3A_28 = vector.shape_cast %integer_pow3A_27 : vector<128x128xf32> to vector<1x128x128xf32>
    %reduce_sum3A_29 = arith.constant dense<0.000000e+00> : vector<1xf32>
    %reduce_sum3A_30 = vector.multi_reduction <add>, %reduce_sum3A_28, %reduce_sum3A_29 [1, 2] : vector<1x128x128xf32> to vector<1xf32>
    %reduce_sum3A_31 = vector.shape_cast %reduce_sum3A_30 : vector<1xf32> to vector<1x1x1xf32>
    %reduce_sum3A_32 = vector.extract %reduce_sum3A_31[0, 0, 0] : f32 from vector<1x1x1xf32>
    %div3A_33 = arith.constant 1.638400e+04 : f32
    %div3A_34 = arith.divf %reduce_sum3A_32, %div3A_33 : f32
    %mul3A = arith.constant 1.000000e+00 : f32
    %mul3A_35 = arith.mulf %mul3A, %div3A_17 : f32
    %add3A = arith.addf %div3A_34, %mul3A_35 : f32
    %add3A_36 = arith.constant 9.99999997E-7 : f32
    %add3A_37 = arith.addf %add3A, %add3A_36 : f32
    %div3A_38 = arith.divf %div3A_34, %add3A_37 : f32
    %get3A_39 = arith.constant 0 : index
    %get3A_40 = memref.load %arg5[%get3A_39] : memref<2xf32, #tpu.memory_space<smem>>
    %get3A_41 = arith.constant 0 : index
    %get3A_42 = arith.constant 0 : index
    %get3A_43 = vector.load %arg2[%get3A_41, %get3A_42] : memref<128x128xf32, #tpu.memory_space<vmem>>, vector<128x128xf32>
    %mul3A_44 = vector.broadcast %get3A_40 : f32 to vector<128x128xf32>
    %mul3A_45 = arith.mulf %mul3A_44, %get3A_43 : vector<128x128xf32>
    %get3A_46 = arith.constant 1 : index
    %get3A_47 = memref.load %arg5[%get3A_46] : memref<2xf32, #tpu.memory_space<smem>>
    %get3A_48 = arith.constant 0 : index
    %get3A_49 = arith.constant 0 : index
    %get3A_50 = vector.load %arg3[%get3A_48, %get3A_49] : memref<128x128xf32, #tpu.memory_space<vmem>>, vector<128x128xf32>
    %mul3A_51 = vector.broadcast %get3A_47 : f32 to vector<128x128xf32>
    %mul3A_52 = arith.mulf %mul3A_51, %get3A_50 : vector<128x128xf32>
    %add3A_53 = arith.addf %mul3A_45, %mul3A_52 : vector<128x128xf32>
    %sub3A_54 = arith.constant 1.000000e+00 : f32
    %sub3A_55 = arith.subf %sub3A_54, %div3A_38 : f32
    %get3A_56 = arith.constant 0 : index
    %get3A_57 = arith.constant 0 : index
    %get3A_58 = vector.load %arg1[%get3A_56, %get3A_57] : memref<128x128xf32, #tpu.memory_space<vmem>>, vector<128x128xf32>
    %mul3A_59 = vector.broadcast %sub3A_55 : f32 to vector<128x128xf32>
    %mul3A_60 = arith.mulf %mul3A_59, %get3A_58 : vector<128x128xf32>
    %mul3A_61 = arith.constant 1.000000e+00 : f32
    %mul3A_62 = arith.mulf %div3A_38, %mul3A_61 : f32
    %mul3A_63 = vector.broadcast %mul3A_62 : f32 to vector<128x128xf32>
    %mul3A_64 = arith.mulf %mul3A_63, %add3A_53 : vector<128x128xf32>
    %add3A_65 = arith.addf %mul3A_60, %mul3A_64 : vector<128x128xf32>
    %reduce_max3A = vector.shape_cast %add3A_65 : vector<128x128xf32> to vector<1x128x128xf32>
    %reduce_max3A_66 = arith.constant dense<0xFF800000> : vector<1xf32>
    %reduce_max3A_67 = vector.multi_reduction <maximumf>, %reduce_max3A, %reduce_max3A_66 [1, 2] : vector<1x128x128xf32> to vector<1xf32>
    %reduce_max3A_68 = vector.shape_cast %reduce_max3A_67 : vector<1xf32> to vector<1x1x1xf32>
    %reduce_max3A_69 = vector.extract %reduce_max3A_68[0, 0, 0] : f32 from vector<1x1x1xf32>
    %sub3A_70 = vector.broadcast %reduce_max3A_69 : f32 to vector<128x128xf32>
    %sub3A_71 = arith.subf %add3A_65, %sub3A_70 : vector<128x128xf32>
    %exp3A = math.exp %sub3A_71 : vector<128x128xf32>
    %reduce_sum3A_72 = vector.shape_cast %exp3A : vector<128x128xf32> to vector<1x128x128xf32>
    %reduce_sum3A_73 = arith.constant dense<0.000000e+00> : vector<1xf32>
    %reduce_sum3A_74 = vector.multi_reduction <add>, %reduce_sum3A_72, %reduce_sum3A_73 [1, 2] : vector<1x128x128xf32> to vector<1xf32>
    %reduce_sum3A_75 = vector.shape_cast %reduce_sum3A_74 : vector<1xf32> to vector<1x1x1xf32>
    %reduce_sum3A_76 = vector.extract %reduce_sum3A_75[0, 0, 0] : f32 from vector<1x1x1xf32>
    %div3A_77 = vector.broadcast %reduce_sum3A_76 : f32 to vector<128x128xf32>
    %div3A_78 = arith.divf %exp3A, %div3A_77 : vector<128x128xf32>
    %swap3A = arith.constant 0 : index
    %swap3A_79 = arith.constant 0 : index
    %swap3A_80 = vector.load %arg6[%swap3A, %swap3A_79] : memref<128x128xf32, #tpu.memory_space<vmem>>, vector<128x128xf32>
    tpu.vector_store %arg6[%swap3A, %swap3A_79], %div3A_78 {strides = array<i32>} : memref<128x128xf32, #tpu.memory_space<vmem>>, vector<128x128xf32>,
    %add3A_81 = arith.addf %get3A_4, %div3A_78 : vector<128x128xf32>
    %swap3A_82 = arith.constant 0 : index
    %swap3A_83 = arith.constant 0 : index
    %swap3A_84 = vector.load %arg7[%swap3A_82, %swap3A_83] : memref<128x128xf32, #tpu.memory_space<vmem>>, vector<128x128xf32>
    tpu.vector_store %arg7[%swap3A_82, %swap3A_83], %add3A_81 {strides = array<i32>} : memref<128x128xf32, #tpu.memory_space<vmem>>, vector<128x128xf32>,
    %reshape3A = vector.broadcast %div3A_38 : f32 to vector<1x1xf32>
    %swap3A_85 = arith.constant 0 : index
    %swap3A_86 = arith.constant 0 : index
    %swap3A_87 = vector.load %arg8[%swap3A_85, %swap3A_86] : memref<1x1xf32, #tpu.memory_space<vmem>>, vector<1x1xf32>
    tpu.vector_store %arg8[%swap3A_85, %swap3A_86], %reshape3A {strides = array<i32>} : memref<1x1xf32, #tpu.memory_space<vmem>>, vector<1x1xf32>,
    return
  }
}

</mosaic_0001>

<sc_bundles>
// kernel: kernel.4.cloned.1.call-start
scs
__scs_entry_jumppad:
0x0: {  	(pc) =	sbr.rel $0x88, $3  }
0x1: {  	(tag) =	ssettag $0x0;
	lr =	simm.s32 $0x1  }
0x2: {  	[smem:$0x3F94] =	sst lr;
	_ =	strace $0xD0000000  }
0x3: {  	_ = 	snop  }
0x4: {  	_ = 	snop  }
0x5: {  	_ = 	snop  }
0x6: {  	_ = 	snop  }
0x7: {  	_ = 	snop  }
__scs_overlays_trampoline_lowered:
0x8: {  	[smem:$0x3FA3] =	sst s0  }
0x9: {  	[smem:$0x3FA4] =	sst s1  }
0xa: {  	[smem:$0x3FA5] =	sst s2  }
0xb: {  	[smem:$0x3FA6] =	sst s3  }
0xc: {  	[smem:$0x3FA7] =	sst s4  }
0xd: {  	[smem:$0x3FA8] =	sst s5  }
0xe: {  	[smem:$0x3FA9] =	sst s6  }
0xf: {  	[smem:$0x3FAA] =	sst s7  }
0x10: {  	[smem:$0x3FAB] =	sst s8  }
0x11: {  	[smem:$0x3FAC] =	sst s9;
	s0 =	simm.s32 @!p0 $0x0  }
0x12: {  	s1 =	sld [smem:$0x3F92];
	s0 =	simm.s32 @p0 $0x1  }
0x13: {  	[smem:$0x3FAD] =	sst s0;
	s0 =	simm.s32 @!p1 $0x0  }
0x14: {  	s2 =	sld [smem:$0x3F91];
	s0 =	simm.s32 @p1 $0x1  }
0x15: {  	[smem:$0x3FAE] =	sst s0;
	s0 =	simm.s32 @!p2 $0x0  }
0x16: {  	s3 =	sld [smem:$0x3FDB];
	s0 =	simm.s32 @p2 $0x1  }
0x17: {  	s4 =	simm.s32 $0x1BF5;
	[smem:$0x3FB0] =	sst s0  }
0x18: {  	s0 =	sld [smem:$0x3F93];
	_ =	swait.ge [sflag:s4], $0x0  }
0x19: {  	s7 =	sld [smem:$0x3F94]  }
0x1a: {  	s8 =	sadd.s32 $0xFFFFE003, lr  }
0x1b: {  	s9 =	sadd.s32 $0xFFFFFEF7, lr;
	s5 =	simm.s32 $0xFFFFFFFF;
	p2 =	slt.u32 s8, $0xFFFFF086  }
0x1c: {  	p1 =	slt.u32 s9, $0xF7A;
	s5 =	simm.s32 @!p2 $0x0  }
0x1d: {  	s5 =	simm.s32 @p1 $0x1;
	p0 =	seq.s32 s7, s2  }
0x1e: {  	s7 =	smul.u32 @!p0 $0xF7A, s2;
	p2 =	seq.s32 @!p0 s5, $0x0  }
0x1f: {  	s9 =	smul.u32 $0xF7A, s1;
	s8 =	simm.s32 @!p0 $0x1BF5;
	p2 =	por !p2, p0  }
0x20: {  	[sflag:s8] =	ssyncset.s32 @!p0 $0xFFFFF086;
	s6 =	sadd.s32 @!p0 s3, s7;
	s7 =	simm.s32 @!p0 $0x108  }
0x21: {  	s3 =	sadd.s32 s3, s9;
	s6 =	sadd.s32 @!p0 $0x88, s6;
	s7 =	simm.s32 @p2 $0x1082  }
0x22: {  	[simem:s7], [sflag:s8] =	dma.local @!p0 [hbm:s6], $0xF7A  }
0x23: {  	s9 =	sor.u32 $0xD0000000, s2;
	s6 =	simm.s32 $0x108;
	_ =	swait.ge @!p0 [sflag:s8], $0x0  }
0x24: {  	s3 =	sadd.s32 $0x88, s3;
	s6 =	simm.s32 @!p1 $0x1082;
	[sflag:s4] =	ssyncset.s32 $0xFFFFF086  }
0x25: {  	[simem:s6], [sflag:s4] =	dma.local [hbm:s3], $0xF7A  }
0x26: {  	[smem:$0x3F94] =	sst s1;
	(tag) =	ssettag s2;
	_ =	strace s9  }
0x27: {  	s1 =	sld [smem:$0x3FA4]  }
0x28: {  	s2 =	sld [smem:$0x3FA5]  }
0x29: {  	s4 =	sld [smem:$0x3FA7]  }
0x2a: {  	p0 =	seq.s32 s5, $0x0;
	s5 =	sld [smem:$0x3FA8]  }
0x2b: {  	s6 =	sld [smem:$0x3FA9]  }
0x2c: {  	s7 =	sld [smem:$0x3FAA]  }
0x2d: {  	s3 =	simm.s32 $0x108;
	s8 =	sld [smem:$0x3FAB]  }
0x2e: {  	s3 =	simm.s32 @!p0 $0x1082;
	s9 =	sld [smem:$0x3FAC]  }
0x2f: {  	lr =	sadd.s32 s0, s3;
	s0 =	sld [smem:$0x3FA3]  }
0x30: {  	s3 =	sld [smem:$0x3FA6]  }
0x31: {  	[smem:$0x3FAF] =	sst s10  }
0x32: {  	s10 =	sld [smem:$0x3FAD];
	_ =	sdelay $0x3  }
0x33: {  	p0 =	seq.s32 s10, $0x1;
	s10 =	sld [smem:$0x3FAF];
	_ =	sdelay $0x3  }
0x34: {  	[smem:$0x3FAF] =	sst s10  }
0x35: {  	s10 =	sld [smem:$0x3FAE];
	_ =	sdelay $0x3  }
0x36: {  	p1 =	seq.s32 s10, $0x1;
	s10 =	sld [smem:$0x3FAF];
	_ =	sdelay $0x3  }
0x37: {  	[smem:$0x3FAF] =	sst s10  }
0x38: {  	s10 =	sld [smem:$0x3FB0]  }
0x39: {  	_ = 	snop;
	(pc) =	sbr.ind lr, $3  }
0x3a: {  	_ = 	snop  }
0x3b: {  	_ = 	snop  }
0x3c: {  	p2 =	seq.s32 s10, $0x1;
	s10 =	sld [smem:$0x3FAF]  }
0x3d: {  	_ =	shalt  }
0x3e: {  	_ =	shalt  }
0x3f: {  	_ =	shalt  }
0x40: {  	_ =	shalt  }
0x41: {  	_ =	shalt  }
0x42: {  	_ =	shalt  }
0x43: {  	_ =	shalt  }
0x44: {  	_ =	shalt  }
0x45: {  	_ =	shalt  }
0x46: {  	_ =	shalt  }
0x47: {  	_ =	shalt  }
0x48: {  	_ =	shalt  }
0x49: {  	_ =	shalt  }
0x4a: {  	_ =	shalt  }
0x4b: {  	_ =	shalt  }
0x4c: {  	_ =	shalt  }
0x4d: {  	_ =	shalt  }
0x4e: {  	_ =	shalt  }
0x4f: {  	_ =	shalt  }
0x50: {  	_ =	shalt  }
0x51: {  	_ =	shalt  }
0x52: {  	_ =	shalt  }
0x53: {  	_ =	shalt  }
0x54: {  	_ =	shalt  }
0x55: {  	_ =	shalt  }
0x56: {  	_ =	shalt  }
0x57: {  	_ =	shalt  }
0x58: {  	_ =	shalt  }
0x59: {  	_ =	shalt  }
0x5a: {  	_ =	shalt  }
0x5b: {  	_ =	shalt  }
0x5c: {  	_ =	shalt  }
0x5d: {  	_ =	shalt  }
0x5e: {  	_ =	shalt  }
0x5f: {  	_ =	shalt  }
0x60: {  	_ =	shalt  }
0x61: {  	_ =	shalt  }
0x62: {  	_ =	shalt  }
0x63: {  	_ =	shalt  }
0x64: {  	_ =	shalt  }
0x65: {  	_ =	shalt  }
0x66: {  	_ =	shalt  }
0x67: {  	_ =	shalt  }
0x68: {  	_ =	shalt  }
0x69: {  	_ =	shalt  }
0x6a: {  	_ =	shalt  }
0x6b: {  	_ =	shalt  }
0x6c: {  	_ =	shalt  }
0x6d: {  	_ =	shalt  }
0x6e: {  	_ =	shalt  }
0x6f: {  	_ =	shalt  }
0x70: {  	_ =	shalt  }
0x71: {  	_ =	shalt  }
0x72: {  	_ =	shalt  }
0x73: {  	_ =	shalt  }
0x74: {  	_ =	shalt  }
0x75: {  	_ =	shalt  }
0x76: {  	_ =	shalt  }
0x77: {  	_ =	shalt  }
0x78: {  	_ =	shalt  }
0x79: {  	_ =	shalt  }
0x7a: {  	_ =	shalt  }
0x7b: {  	_ =	shalt  }
0x7c: {  	_ =	shalt  }
0x7d: {  	_ =	shalt  }
0x7e: {  	_ =	shalt  }
0x7f: {  	_ =	shalt  }
0x80: {  	_ =	shalt  }
0x81: {  	_ =	shalt  }
0x82: {  	_ =	shalt  }
0x83: {  	_ =	shalt  }
0x84: {  	_ =	shalt  }
0x85: {  	_ =	shalt  }
0x86: {  	_ =	shalt  }
0x87: {  	_ =	shalt  }
.Lfunc_end0:
.L_simem_size_0:
called_computation_lowered:
.L_overlay_start_0:
0x88: {  	s2 =	sld [smem:$0x3FD9]  }
0x89: {  	s3 =	sld [smem:$0x3FFE];
	_ =	sdelay $0x1  }
0x8a: {  	s1 =	srdreg.scid  }
0x8b: {  	s0 =	sand.u32 $0x1, s1  }
0x8c: {  	s14 =	sshll.u32 s0, $0xA;
	s2 =	sadd.s32 s3, s2  }
0x8d: {  	s2 =	sadd.s32 s2, s14  }
0x8e: {  	[smem:$0x3FBB] =	sst s2  }
0x8f: {  	_ = 	snop  }
0x90: {  	s2 =	sld [smem:$0x3FC9]  }
0x91: {  	s15 =	sld [smem:$0x3FC8]  }
0x92: {  	s4 =	sld [smem:$0x3FC7]  }
0x93: {  	s5 =	sld [smem:$0x3FD0]  }
0x94: {  	s6 =	sld [smem:$0x3FC6]  }
0x95: {  	s7 =	sld [smem:$0x3FC2]  }
0x96: {  	s9 =	simm.s32 $0xA;
	s10 =	simm.s32 $0x10;
	s8 =	sld [smem:$0x3FBF]  }
0x97: {  	[smem:s10], [sflag:s9] =	dma.local [hbm:s5], $0x1  }
0x98: {  	_ =	swait.eq [sflag:s9], $0x1  }
0x99: {  	[sflag:s9] =	ssyncset.done $0x0  }
0x9a: {  	s16 =	sld [smem:$0x11];
	[sflag:s9] =	ssyncadd.s32 $0xFFFFFFFF  }
0x9b: {  	s17 =	sld [smem:$0x13];
	(tm) =	ssettm $0x1  }
0x9c: {  	s18 =	sld [smem:$0x3FFB];
	_ =	sdelay $0x3  }
0x9d: {  	_ =	strace s18  }
0x9e: {  	s10 =	sld [smem:$0x3FFC];
	_ =	sdelay $0x3  }
0x9f: {  	_ =	strace s10  }
0xa0: {  	s10 =	sld [smem:$0x3FFD];
	_ =	sdelay $0x3  }
0xa1: {  	_ =	strace s10  }
0xa2: {  	_ =	strace $0x8FFFFFFF  }
0xa3: {  	s19 =	sld [smem:$0x3FDB];
	_ =	sdelay $0x1  }
0xa4: {  	s11 =	simm.s32 $_scs_section_size  }
0xa5: {  	s12 =	simm.s32 $_size__tile_overlayer_lowered;
	s13 =	simm.s32 $_tile_overlayer_lowered  }
0xa6: {  	s22 =	simm.s32 $0x1BFF;
	s21 =	sshll.u32 s13, $0x1;
	s10 =	sadd.s32 s11, s19  }
0xa7: {  	s20 =	sshll.u32 s12, $0x1;
	s14 =	simm.s32 $0x0;
	s12 =	sadd.s32 s21, s10  }
0xa8: {  	[timem:s14], [sflag:s22] =	dma.local [hbm:s12], s20  }
0xa9: {  	_ =	swait.ge [sflag:s22], s20  }
0xaa: {  	s11 =	ssub.s32 $0x0, s20;
	[sflag:s22] =	ssyncset.done $0x0  }
0xab: {  	[sflag:s22] =	ssyncadd.s32 s11;
	_ =	sdelay $0x1  }
0xac: {  	s23 =	simm.s32 $0x1B8B  }
0xad: {  	_ =	swait.ge [sflag:s23], $0x1  }
0xae: {  	[sflag:s23] =	ssyncset.done $0x0  }
0xaf: {  	s25 =	simm.s32 $0x1B8E;
	s24 =	sld [smem:$0x3FFE];
	[sflag:s23] =	ssyncadd.s32 $0xFFFFFFFF  }
0xb0: {  	s26 =	simm.s32 $execute0_lowered;
	[smem:$0x3FD2] =	sst s25  }
0xb1: {  	s12 =	sshll.u32 s26, $0x1;
	_ =	strace $0x80000046;
	[dreg:$0x1] =	wrdreg $0xFFFFFFFF  }
0xb2: {  	s28 =	simm.s32 $_size_execute0_lowered;
	s10 =	sadd.s32 s10, s12;
	[dreg:$0x0] =	wrdreg $0x0  }
0xb3: {  	s12 =	sshll.u32 s28, $0x1;
	[dreg:$0x2] =	wrdreg s10  }
0xb4: {  	[dreg:$0x3] =	wrdreg s12  }
0xb5: {  	[dreg:$0x4] =	wrdreg $0xC0  }
0xb6: {  	_ =	task [dreg:s14], $0x5FFFF  }
0xb7: {  	[dreg:$0x1] =	wrdreg $0xFFFFFFFF  }
0xb8: {  	[dreg:$0x0] =	wrdreg $0x60  }
0xb9: {  	[dreg:$0x2] =	wrdreg s4  }
0xba: {  	[dreg:$0x3] =	wrdreg s2  }
0xbb: {  	[dreg:$0x4] =	wrdreg s15  }
0xbc: {  	[dreg:$0x5] =	wrdreg s6  }
0xbd: {  	[dreg:$0x6] =	wrdreg s7  }
0xbe: {  	[dreg:$0x7] =	wrdreg s24  }
0xbf: {  	[dreg:$0x8] =	wrdreg s8  }
0xc0: {  	[dreg:$0x9] =	wrdreg s17  }
0xc1: {  	[dreg:$0xa] =	wrdreg s16  }
0xc2: {  	[dreg:$0xb] =	wrdreg $0x9  }
0xc3: {  	_ =	task.clear_ibuf [dreg:s14], $0xCFFFF;
	_ =	strace $0x90000046  }
0xc4: {  	s29 =	simm.s32 $0x9;
	_ =	strace $0x80000048  }
0xc5: {  	_ =	swait.ge [sflag:s29], $0x1  }
0xc6: {  	[sflag:s29] =	ssyncadd.s32 $0xFFFFFFFF  }
0xc7: {  	_ =	strace $0x90000048  }
0xc8: {  	_ =	sfence  }
0xc9: {  	s30 =	sld [smem:$0x0];
	_ =	sdelay $0x2  }
0xca: {  	s31 =	sshll.u32 s1, $0xD;
	s1 =	sshrl.u32 s1, $0x2  }
0xcb: {  	s3 =	sand.u32 $0x4000, s31;
	s1 =	sadd.s32 s1, s30  }
0xcc: {  	s0 =	sor.u32 s3, s0;
	s1 =	sshll.u32 s1, $0x11  }
0xcd: {  	s0 =	sor.u32 s1, s0  }
0xce: {  	s0 =	sadd.s32 $0x8F2B, s0  }
0xcf: {  	[sflag:s0] =	ssyncadd.remote.s32 $0x1  }
0xd0: {  	_ =	sfence.sel $0xFFFF  }
0xd1: {  	[dreg:$0x0] =	wrdreg $0xFFFFFFFF;
	(pc) =	sbr.abs _section_cstart, $3  }
0xd2: {  	[dreg:$0x1] =	wrdreg $0xFFFFFFFF  }
0xd3: {  	_ =	task.clear_ibuf [dreg:s14], $0x2FFFF;
	_ =	strace $0x9FFFFFFF  }
0xd4: {  	(tm) =	ssettm $0x7FFFFFFF  }
0xd5: {  	_ =	shalt  }
tec
execute0_lowered:
.L_overlay_start_1:
0x0: {  	(tag) =	ssettag $0x1  }
0x1: {  	s0 =	rddreg [dreg:$0x0]  }
0x2: {  	s9 =	rddreg [dreg:$0x1]  }
0x3: {  	s10 =	rddreg [dreg:$0x2]  }
0x4: {  	s11 =	rddreg [dreg:$0x3]  }
0x5: {  	s1 =	rddreg [dreg:$0x4]  }
0x6: {  	s7 =	rddreg [dreg:$0x5]  }
0x7: {  	s2 =	rddreg [dreg:$0x6]  }
0x8: {  	s12 =	rddreg [dreg:$0x7]  }
0x9: {  	s13 =	rddreg [dreg:$0x8];
	s3 =	simm.s32 $0x0;
	vm0 =	vcmask $0x300;
	s8 =	srdreg.scid  }
0xa: {  	v14 =	vimm.f32 $0.0e+00;
	vm15 =	vcmask $0x704;
	s5 =	stileid.u32;
	vm4 =	vcmask $0xB08;
	s17 =	simm.s32 $0x400;
	s18 =	simm.s32 $0x600  }
0xb: {  	vm1 =	vcmask $0xF0C;
	vm5 =	vcmask $0x1310;
	vm6 =	vcmask $0x1714;
	s19 =	simm.s32 $0x10E00;
	s20 =	simm.s32 $0x800;
	s21 =	simm.s32 $0x1  }
0xc: {  	vm7 =	vcmask $0x1B18;
	vm8 =	vcmask $0x1F1C;
	vm9 =	vcmask $0x2320;
	s22 =	simm.s32 $0x10800;
	s23 =	simm.s32 $0x10A00;
	s24 =	simm.s32 $0x10C00  }
0xd: {  	vm10 =	vcmask $0x2724;
	vm11 =	vcmask $0x2B28;
	vm12 =	vcmask $0x2F2C;
	s25 =	simm.s32 $0x10E80;
	s26 =	simm.s32 $0x11080;
	s28 =	simm.s32 $0x0  }
0xe: {  	vm13 =	vcmask $0x3330;
	vm14 =	vcmask $0x3734;
	v15 =	vimm.f32 $1.000000000e+00;
	[smem:$0x7FF] =	sst s3;
	s4 =	sadd.s32 $0x600, s7;
	s8 =	sand.u32 $0x1, s8  }
0xf: {  	vm2 =	vcmask $0x3B00;
	v0 =	vsel vm0, $0x3F800000, v14;
	s6 =	sadd.s32 $0x3800, s7;
	v1 =	vsel vm15, $0x3F800000, v14;
	s15 =	sshll.u32 s5, $0x7;
	s14 =	ssub.s32 $0x2, s8  }
0x10: {  	v2 =	vsel vm4, $0x3F800000, v14;
	v3 =	vsel vm1, $0x3F800000, v14;
	s7 =	sadd.s32 $0x6A00, s7;
	v4 =	vsel vm5, $0x3F800000, v14;
	s8 =	sshll.u32 s8, $0x6;
	s16 =	sshrl.u32 s14, $0x1  }
0x11: {  	v5 =	vsel vm6, $0x3F800000, v14;
	v6 =	vsel vm7, $0x3F800000, v14;
	v7 =	vsel vm8, $0x3F800000, v14;
	_ =	strace $0x80000047;
	s15 =	sor.u32 s8, s15;
	s14 =	ssub.s32 s14, s16  }
0x12: {  	v8 =	vsel vm9, $0x3F800000, v14;
	v9 =	vsel vm10, $0x3F800000, v14;
	v10 =	vsel vm11, $0x3F800000, v14;
	s8 =	sadd.s32 s0, s15;
	s9 =	sadd.s32 s9, s15;
	s10 =	sadd.s32 s10, s15  }
0x13: {  	v11 =	vsel vm12, $0x3F800000, v14;
	v12 =	vsel vm13, $0x3F800000, v14;
	vm15 =	vcmask $0x3B38;
	s11 =	sadd.s32 s11, s15;
	s12 =	sadd.s32 s12, s15;
	s13 =	sadd.s32 s13, s15  }
0x14: {  	v13 =	vsel vm14, $0x3F800000, v14;
	v15 =	vsel vm2, $0x0, v15;
	v14 =	vsel vm15, $0x3F800000, v14;
	s15 =	simm.s32 $0x2;
	s16 =	simm.s32 $0x200;
	s14 =	smax.u32 s14, $0x1  }
.LBB2_1:
0x15: {  	[tilespmem:s3], [sflag:$0x2] =	stream.linear.gather [hbm4b:s8+s3], $0x200, $0x38;
	[tilespmem:$0x11280] =	vst v63  }
0x16: {  	_ =	swait.ge [sflag:s15], $0x200  }
0x17: {  	[sflag:s15] =	ssyncset.done $0x0  }
0x18: {  	[sflag:s15] =	ssyncadd.s32 $0xFFFFFE00  }
0x19: {  	[tilespmem:s16], [sflag:$0x2] =	stream.linear.gather [hbm4b:s9+s3], $0x200, $0x38;
	[tilespmem:$0x11280] =	vst v63  }
0x1a: {  	_ =	swait.ge [sflag:s15], $0x200  }
0x1b: {  	[sflag:s15] =	ssyncset.done $0x0  }
0x1c: {  	[sflag:s15] =	ssyncadd.s32 $0xFFFFFE00  }
0x1d: {  	[tilespmem:s17], [sflag:$0x2] =	stream.linear.gather [hbm4b:s10+s3], $0x200, $0x38;
	[tilespmem:$0x11280] =	vst v63  }
0x1e: {  	_ =	swait.ge [sflag:s15], $0x200  }
0x1f: {  	[sflag:s15] =	ssyncset.done $0x0  }
0x20: {  	[sflag:s15] =	ssyncadd.s32 $0xFFFFFE00  }
0x21: {  	[tilespmem:s18], [sflag:$0x2] =	stream.linear.gather [hbm4b:s11+s3], $0x200, $0x38;
	[tilespmem:$0x11280] =	vst v63  }
0x22: {  	_ =	swait.ge [sflag:s15], $0x200  }
0x23: {  	[sflag:s15] =	ssyncset.done $0x0  }
0x24: {  	[sflag:s15] =	ssyncadd.s32 $0xFFFFFE00  }
0x25: {  	[tilespmem:s19], [sflag:$0x2] =	stream.linear.gather [hbm4b:s2+s3], $0x80, $0x38;
	[tilespmem:$0x11280] =	vst v63  }
0x26: {  	_ =	swait.ge [sflag:s15], $0x80  }
0x27: {  	[sflag:s15] =	ssyncset.done $0x0  }
0x28: {  	[sflag:s15] =	ssyncadd.s32 $0xFFFFFF80  }
0x29: {  	[tilespmem:s20], [sflag:$0x1] =	stream.indirect.gather [hbm4b:s1+s16], $0x80, s3, s16, $0xb8;
	[tilespmem:$0x11280] =	vst v63  }
0x2a: {  	_ =	swait.ge [sflag:s21], $0x10000  }
0x2b: {  	[sflag:s21] =	ssyncset.done $0x0  }
0x2c: {  	[sflag:s21] =	ssyncadd.s32 $0xFFFF0000  }
0x2d: {  	[tilespmem:s22], [sflag:$0x1] =	stream.indirect.gather [hbm4b:s4+s16], $0x1, s16, s16, $0xb8;
	[tilespmem:$0x11280] =	vst v63  }
0x2e: {  	_ =	swait.ge [sflag:s21], $0x200  }
0x2f: {  	[sflag:s21] =	ssyncset.done $0x0  }
0x30: {  	[sflag:s21] =	ssyncadd.s32 $0xFFFFFE00  }
0x31: {  	[tilespmem:s23], [sflag:$0x1] =	stream.indirect.gather [hbm4b:s6+s16], $0x1, s17, s16, $0xb8;
	[tilespmem:$0x11280] =	vst v63  }
0x32: {  	_ =	swait.ge [sflag:s21], $0x200  }
0x33: {  	[sflag:s21] =	ssyncset.done $0x0  }
0x34: {  	[sflag:s21] =	ssyncadd.s32 $0xFFFFFE00  }
0x35: {  	[tilespmem:s24], [sflag:$0x1] =	stream.indirect.gather [hbm4b:s7+s16], $0x1, s18, s16, $0xb8;
	[tilespmem:$0x11280] =	vst v63  }
0x36: {  	_ =	swait.ge [sflag:s21], $0x200  }
0x37: {  	[sflag:s21] =	ssyncset.done $0x0  }
0x38: {  	[sflag:s21] =	ssyncadd.s32 $0xFFFFFE00  }
0x39: {  	v16 =	vld [tilespmem:$0x10E00]  }
0x3a: {  	v17 =	vld [tilespmem:$0x10E10]  }
0x3b: {  	v18 =	vld [tilespmem:$0x10E20]  }
0x3c: {  	v19 =	vld [tilespmem:$0x10E30]  }
0x3d: {  	v20 =	vld [tilespmem:$0x10E40]  }
0x3e: {  	v21 =	vld [tilespmem:$0x10E50]  }
0x3f: {  	v22 =	vld [tilespmem:$0x10E60]  }
0x40: {  	s29 =	simm.s32 $0x0;
	v23 =	vld [tilespmem:$0x10E70]  }
0x41: {  	s30 =	simm.s32 $0xC00;
	v24 =	vld [tilespmem:s29+$0x10800]  }
0x42: {  	v29 =	vld [tilespmem:s30+$0x2B0]  }
0x43: {  	v30 =	vld [tilespmem:s30+$0x2F0]  }
0x44: {  	v32 =	vld [tilespmem:s30+$0x2E0]  }
0x45: {  	v35 =	vld [tilespmem:s30+$0x2D0]  }
0x46: {  	v36 =	vld [tilespmem:s30+$0x2C0]  }
0x47: {  	v37 =	vld [tilespmem:s30+$0x2A0]  }
0x48: {  	v41 =	vld [tilespmem:s30+$0x150]  }
0x49: {  	v40 =	vld [tilespmem:s30+$0x260]  }
0x4a: {  	v28 =	vld [tilespmem:s30+$0x290]  }
0x4b: {  	v34 =	vld [tilespmem:s30+$0x280]  }
0x4c: {  	v42 =	vld [tilespmem:s30+$0x270]  }
0x4d: {  	v43 =	vld [tilespmem:s30+$0x250]  }
0x4e: {  	v39 =	vld [tilespmem:s30+$0x210]  }
0x4f: {  	v44 =	vld [tilespmem:s30+$0x240]  }
0x50: {  	v45 =	vld [tilespmem:s30+$0x230]  }
0x51: {  	v46 =	vld [tilespmem:s30+$0x220]  }
0x52: {  	v47 =	vld [tilespmem:s30+$0x200]  }
0x53: {  	v48 =	vld [tilespmem:s30+$0x140]  }
0x54: {  	v49 =	vld [tilespmem:s30+$0x130]  }
0x55: {  	v38 =	vld [tilespmem:s30+$0xE0]  }
0x56: {  	v50 =	vld [tilespmem:s30+$0xD0]  }
0x57: {  	v51 =	vld [tilespmem:s30+$0x1C0]  }
0x58: {  	v52 =	vld [tilespmem:s30+$0xC0]  }
0x59: {  	v53 =	vld [tilespmem:s30+$0x1F0]  }
0x5a: {  	v54 =	vld [tilespmem:s30+$0x1E0]  }
0x5b: {  	v55 =	vld [tilespmem:s30+$0x1D0]  }
0x5c: {  	v56 =	vld [tilespmem:s30+$0x1B0]  }
0x5d: {  	v57 =	vld [tilespmem:s30+$0x1A0]  }
0x5e: {  	v58 =	vld [tilespmem:s30+$0x190]  }
0x5f: {  	v59 =	vld [tilespmem:s30+$0x180]  }
0x60: {  	v60 =	vld [tilespmem:s30+$0x160]  }
0x61: {  	v61 =	vld [tilespmem:s30+$0x120]  }
0x62: {  	v62 =	vld [tilespmem:s30+$0x110]  }
0x63: {  	v63 =	vld [tilespmem:s30+$0x100]  }
0x64: {  	v26 =	vld [tilespmem:s30+$0x90]  }
0x65: {  	v27 =	vld [tilespmem:s30+$0x80]  }
0x66: {  	v33 =	vld [tilespmem:s30+$0xB0]  }
0x67: {  	v31 =	vld [tilespmem:s30+$0xA0];
	v25 =	vmul.f32 v28, v17  }
0x68: {  	[tilespmem:$0x1FFC0] =	vst v24;
	v24 =	vld [tilespmem:s29+$0x10A00];
	v39 =	vmul.f32 v39, v17;
	v47 =	vmul.f32 v47, v16  }
0x69: {  	v28 =	vld [tilespmem:s30+$0xFFFFFF30];
	v58 =	vmul.f32 v58, v17;
	v59 =	vmul.f32 v59, v16  }
0x6a: {  	v26 =	vmul.f32 v26, v17;
	v27 =	vmul.f32 v27, v16;
	v39 =	vadd.f32 v39, v47;
	v47 =	vld [tilespmem:s30+$0xFFFFFF10]  }
0x6b: {  	v46 =	vmul.f32 v46, v18;
	v58 =	vadd.f32 v58, v59;
	v59 =	vmul.f32 v62, v17;
	v62 =	vld [tilespmem:s30+$0xFFFFFEF0]  }
0x6c: {  	v57 =	vmul.f32 v57, v18;
	v26 =	vadd.f32 v26, v27;
	v27 =	vld [tilespmem:s30+$0xFFFFFEA0]  }
0x6d: {  	v31 =	vmul.f32 v31, v18;
	v46 =	vadd.f32 v46, v39;
	v39 =	vld [tilespmem:s30+$0xFFFFFE70]  }
0x6e: {  	v57 =	vadd.f32 v57, v58;
	v58 =	vld [tilespmem:s30+$0xFFFFFEE0]  }
0x6f: {  	v45 =	vmul.f32 v45, v19;
	v26 =	vadd.f32 v31, v26;
	v31 =	vmul.f32 v33, v19;
	v33 =	vld [tilespmem:s30+$0xFFFFFD60]  }
0x70: {  	v56 =	vmul.f32 v56, v19;
	[tilespmem:$0x1FFD0] =	vst v24;
	v24 =	vld [tilespmem:s30+$0x330]  }
0x71: {  	v45 =	vadd.f32 v45, v46;
	v46 =	vmul.f32 v44, v20;
	v44 =	vld [tilespmem:s30+$0xFFFFFDF0]  }
0x72: {  	v56 =	vadd.f32 v56, v57;
	v57 =	vld [tilespmem:s30+$0xFFFFFEC0]  }
0x73: {  	v51 =	vmul.f32 v51, v20;
	v26 =	vadd.f32 v31, v26;
	v31 =	vld [tilespmem:s30+$0xFFFFFD40]  }
0x74: {  	v45 =	vadd.f32 v46, v45;
	v46 =	vmul.f32 v43, v21;
	v43 =	vld [tilespmem:s30+$0xFFFFFDD0]  }
0x75: {  	v55 =	vmul.f32 v55, v21;
	v51 =	vadd.f32 v51, v56;
	v56 =	vmul.f32 v53, v23;
	v53 =	vld [tilespmem:s30+$0xFFFFFE40]  }
0x76: {  	v40 =	vmul.f32 v40, v22;
	[tilespmem:$0x1FFE0] =	vst v24;
	v24 =	vld [tilespmem:s30+$0x390];
	v45 =	vadd.f32 v46, v45;
	v46 =	vmul.f32 v63, v16  }
0x77: {  	v42 =	vmul.f32 v42, v23;
	v63 =	vmul.f32 v49, v19;
	v49 =	vld [tilespmem:s30+$0xFFFFFEB0];
	v51 =	vadd.f32 v55, v51  }
0x78: {  	v55 =	vld [tilespmem:s30+$0xFFFFFE80];
	v46 =	vadd.f32 v59, v46;
	v59 =	vmul.f32 v61, v18;
	v40 =	vadd.f32 v40, v45  }
0x79: {  	v61 =	vld [tilespmem:s30+$0xFFFFFED0]  }
0x7a: {  	v46 =	vadd.f32 v59, v46;
	v40 =	vadd.f32 v42, v40;
	v42 =	vld [tilespmem:s30+$0xFFFFFE20]  }
0x7b: {  	[tilespmem:$0x1FFF0] =	vst v24;
	v24 =	vld [tilespmem:s30+$0x170]  }
0x7c: {  	v48 =	vmul.f32 v48, v20;
	v45 =	vadd.f32 v63, v46;
	v46 =	vld [tilespmem:s30+$0xFFFFFE90]  }
0x7d: {  	v54 =	vmul.f32 v54, v22;
	v63 =	vmul.f32 v52, v20;
	v52 =	vld [tilespmem:s30+$0xFFFFFE30]  }
0x7e: {  	v41 =	vmul.f32 v41, v21;
	v59 =	vadd.f32 v48, v45;
	v48 =	vld [tilespmem:s30+$0xFFFFFD70]  }
0x7f: {  	v50 =	vmul.f32 v50, v21;
	v45 =	vadd.f32 v54, v51;
	v54 =	vld [tilespmem:s30+$0xFFFFFD50]  }
0x80: {  	v38 =	vmul.f32 v38, v22;
	v26 =	vadd.f32 v63, v26;
	[tilespmem:$0x1FF80] =	vst v24;
	v24 =	vld [tilespmem:s30+$0xF0];
	v41 =	vadd.f32 v41, v59  }
0x81: {  	v59 =	vmul.f32 v60, v22;
	v45 =	vadd.f32 v56, v45;
	v60 =	vmul.f32 v55, v16;
	v55 =	vld [tilespmem:s30+$0xFFFFFE00]  }
0x82: {  	v26 =	vadd.f32 v50, v26;
	v56 =	vmul.f32 v49, v19;
	v49 =	vld [tilespmem:s30+$0xFFFFFD30];
	v46 =	vmul.f32 v46, v17  }
0x83: {  	v63 =	vld [tilespmem:$0x1FF80]  }
0x84: {  	v27 =	vmul.f32 v27, v18;
	v26 =	vadd.f32 v38, v26;
	v38 =	vld [tilespmem:s30+$0xFFFFFD20];
	v46 =	vadd.f32 v46, v60  }
0x85: {  	[tilespmem:$0x1FF90] =	vst v24;
	v24 =	vmul.f32 v34, v16;
	v34 =	vld [tilespmem:s30+$0x10]  }
0x86: {  	v27 =	vadd.f32 v27, v46;
	v46 =	vld [tilespmem:s30+$0xFFFFFDB0]  }
0x87: {  	v41 =	vadd.f32 v59, v41;
	v59 =	vld [tilespmem:$0x1FF90]  }
0x88: {  	v50 =	vmul.f32 v63, v23;
	v63 =	vld [tilespmem:s30+$0xFFFFFD90]  }
0x89: {  	v24 =	vadd.f32 v25, v24;
	v25 =	vmul.f32 v37, v18;
	v37 =	vld [tilespmem:s30+$0xFFFFFF50]  }
0x8a: {  	v57 =	vmul.f32 v57, v20;
	v27 =	vadd.f32 v56, v27;
	v56 =	vmul.f32 v61, v21;
	v61 =	vld [tilespmem:s30+$0xFFFFFD00]  }
0x8b: {  	v24 =	vadd.f32 v25, v24;
	v25 =	vmul.f32 v29, v19;
	v29 =	vld [tilespmem:s30+$0xFFFFFF40]  }
0x8c: {  	v27 =	vadd.f32 v57, v27;
	v57 =	vld [tilespmem:s30+$0xFFFFFD80]  }
0x8d: {  	[tilespmem:$0x1FFB0] =	vst v34;
	v34 =	vld [tilespmem:s30+$0xFFFFFF70]  }
0x8e: {  	v24 =	vadd.f32 v25, v24;
	v25 =	vmul.f32 v36, v20;
	v36 =	vld [tilespmem:s30+$0xFFFFFF20]  }
0x8f: {  	v41 =	vadd.f32 v50, v41;
	v27 =	vadd.f32 v56, v27;
	v56 =	vld [tilespmem:s30+$0xFFFFFC10]  }
0x90: {  	v50 =	vmul.f32 v59, v23;
	v24 =	vadd.f32 v25, v24;
	v25 =	vmul.f32 v35, v21;
	v35 =	vld [tilespmem:s30+$0xFFFFFF00]  }
0x91: {  	v59 =	vmul.f32 v58, v22;
	v58 =	vld [tilespmem:s30+$0xFFFFFC00]  }
0x92: {  	v26 =	vadd.f32 v50, v26;
	v50 =	vld [tilespmem:s30+$0xFFFFFD10]  }
0x93: {  	v32 =	vmul.f32 v32, v22;
	v30 =	vmul.f32 v30, v23;
	v27 =	vadd.f32 v59, v27;
	v59 =	vld [tilespmem:s30+$0xFFFFFC90]  }
0x94: {  	v28 =	vmul.f32 v28, v19;
	v62 =	vmul.f32 v62, v23;
	[tilespmem:$0x1FFA0] =	vst v34;
	v34 =	vld [tilespmem:s30+$0xFFFFFF60]  }
0x95: {  	v47 =	vmul.f32 v47, v17;
	v24 =	vadd.f32 v25, v24;
	v25 =	vld [tilespmem:s30+$0xFFFFFE60];
	v35 =	vmul.f32 v35, v16  }
0x96: {  	v60 =	vmul.f32 v37, v21;
	v27 =	vadd.f32 v62, v27;
	v62 =	vld [tilespmem:s30+$0xFFFFFCA0];
	v36 =	vmul.f32 v36, v18  }
0x97: {  	v37 =	vmul.f32 v56, v17;
	v56 =	vld [tilespmem:s30+$0xFFFFFC40];
	v32 =	vadd.f32 v32, v24;
	v35 =	vadd.f32 v47, v35  }
0x98: {  	v51 =	vmul.f32 v57, v16;
	v57 =	vmul.f32 v52, v19;
	v47 =	vld [tilespmem:s30+$0xFFFFFE10]  }
0x99: {  	v52 =	vmul.f32 v58, v16;
	v58 =	vld [tilespmem:s30+$0xFFFFFC50];
	v30 =	vadd.f32 v30, v32;
	v35 =	vadd.f32 v36, v35  }
0x9a: {  	v24 =	vld [tilespmem:s30+$0xFFFFFDE0]  }
0x9b: {  	v29 =	vmul.f32 v29, v20;
	v37 =	vadd.f32 v37, v52;
	v52 =	vld [tilespmem:s30+$0xFFFFFCF0];
	(xrf2) =	vadd.scan.msk.f32 $0xffff, v30;
	v28 =	vadd.f32 v28, v35  }
0x9c: {  	v32 =	vld [tilespmem:s30+$0xFFFFFE50];
	(xrf2) =	vadd.scan.msk.f32 $0xffff, v40  }
0x9d: {  	v36 =	vmul.f32 v55, v16;
	(xrf2) =	vadd.scan.msk.f32 $0xffff, v45;
	v45 =	vld [tilespmem:s30+$0x30];
	v47 =	vmul.f32 v47, v17;
	v28 =	vadd.f32 v29, v28  }
0x9e: {  	v50 =	vmul.f32 v50, v17;
	v35 =	vld [tilespmem:s30+$0xFFFFFDC0]  }
0x9f: {  	v36 =	vadd.f32 v47, v36;
	v47 =	vmul.f32 v61, v16;
	v28 =	vadd.f32 v60, v28;
	v60 =	vld [tilespmem:$0x1FFA0]  }
0xa0: {  	v42 =	vmul.f32 v42, v18;
	v29 =	vld [tilespmem:s30+$0xFFFFFDA0]  }
0xa1: {  	v38 =	vmul.f32 v38, v18;
	v34 =	vmul.f32 v34, v22;
	v61 =	vld [tilespmem:s30+$0xFFFFFC20];
	v47 =	vadd.f32 v50, v47  }
0xa2: {  	v50 =	vmul.f32 v62, v18;
	v62 =	vmul.f32 v56, v20;
	v56 =	vld [tilespmem:s30+$0xFFFFFF90]  }
0xa3: {  	v49 =	vmul.f32 v49, v19;
	v36 =	vadd.f32 v42, v36;
	v38 =	vadd.f32 v38, v47;
	v47 =	vld [tilespmem:s30+$0xFFFFFCB0]  }
0xa4: {  	v63 =	vmul.f32 v63, v17;
	v28 =	vadd.f32 v34, v28;
	v34 =	vmul.f32 v60, v23;
	v60 =	vld [tilespmem:s30+$0xFFFFFC80]  }
0xa5: {  	v31 =	vmul.f32 v31, v20;
	v36 =	vadd.f32 v57, v36;
	v57 =	vld [tilespmem:s30+$0xFFFFFCC0];
	v38 =	vadd.f32 v49, v38  }
0xa6: {  	v29 =	vmul.f32 v29, v18;
	v49 =	vld [tilespmem:s30+$0xFFFFFCD0];
	v28 =	vadd.f32 v34, v28;
	v34 =	vadd.f32 v63, v51  }
0xa7: {  	v33 =	vmul.f32 v33, v22;
	v43 =	vmul.f32 v43, v21;
	v63 =	vld [tilespmem:s30+$0xFFFFFC30];
	v31 =	vadd.f32 v31, v38  }
0xa8: {  	v38 =	vld [tilespmem:s30+$0xFFFFFCE0];
	v29 =	vadd.f32 v29, v34;
	v34 =	vmul.f32 v61, v18;
	v61 =	vmul.f32 v54, v21  }
0xa9: {  	v46 =	vmul.f32 v46, v19;
	v42 =	vmul.f32 v60, v16;
	v60 =	vld [tilespmem:s30+$0xFFFFFC60]  }
0xaa: {  	v48 =	vmul.f32 v48, v23;
	v51 =	vmul.f32 v59, v17;
	v30 =	vadd.f32 v61, v31;
	v61 =	vld [tilespmem:s30+$0xFFFFFFA0]  }
0xab: {  	v35 =	vmul.f32 v35, v20;
	v29 =	vadd.f32 v46, v29;
	v34 =	vadd.f32 v34, v37;
	v46 =	vld [tilespmem:s30+$0xFFFFFFC0]  }
0xac: {  	v31 =	vmul.f32 v52, v23;
	v52 =	vld [tilespmem:s30+$0x50];
	v42 =	vadd.f32 v51, v42;
	v59 =	vmul.f32 v63, v19  }
0xad: {  	v24 =	vmul.f32 v24, v22;
	v63 =	vld [tilespmem:s30+$0xFFFFFC70];
	v29 =	vadd.f32 v35, v29;
	v30 =	vadd.f32 v33, v30  }
0xae: {  	v35 =	vmul.f32 v57, v20;
	v57 =	vld [tilespmem:s30+$0xFFFFFF80];
	v34 =	vadd.f32 v59, v34;
	v42 =	vadd.f32 v50, v42  }
0xaf: {  	v50 =	vmul.f32 v47, v19;
	v29 =	vadd.f32 v43, v29;
	v59 =	vmul.f32 v60, v22;
	v60 =	vld [tilespmem:s30+$0x0]  }
0xb0: {  	v55 =	vmul.f32 v58, v21;
	(xrf2) =	vadd.scan.msk.f32 $0xffff, v41;
	v30 =	vadd.f32 v48, v30;
	v48 =	vld [tilespmem:$0x1FFB0];
	v54 =	vadd.f32 v62, v34  }
0xb1: {  	v44 =	vmul.f32 v44, v23;
	(xrf2) =	vadd.scan.msk.f32 $0xffff, v26;
	v26 =	vadd.f32 v50, v42;
	v50 =	vld [tilespmem:s30+$0xFFFFFFD0];
	v24 =	vadd.f32 v24, v29  }
0xb2: {  	v53 =	vmul.f32 v53, v20;
	(xrf2) =	vadd.scan.msk.f32 $0xffff, v28;
	v62 =	vmul.f32 v63, v23;
	v63 =	vld [tilespmem:s30+$0x20];
	v58 =	vadd.f32 v55, v54  }
0xb3: {  	(xrf2) =	vadd.scan.msk.f32 $0xffff, v27;
	v27 =	vmul.f32 v49, v21;
	v26 =	vadd.f32 v35, v26;
	v55 =	vld [tilespmem:s30+$0x60];
	v24 =	vadd.f32 v44, v24  }
0xb4: {  	v32 =	vmul.f32 v32, v21;
	v36 =	vadd.f32 v53, v36;
	v33 =	vmul.f32 v57, v16;
	v57 =	vld [tilespmem:$0x1FFD0]  }
0xb5: {  	v44 =	vld [tilespmem:s30+$0xFFFFFFB0];
	v26 =	vadd.f32 v27, v26;
	v27 =	vmul.f32 v38, v22;
	(xrf2) =	vadd.scan.msk.f32 $0xffff, v24;
	v24 =	vadd.f32 v59, v58  }
0xb6: {  	v25 =	vmul.f32 v25, v22;
	v32 =	vadd.f32 v32, v36;
	v47 =	vmul.f32 v60, v16;
	v60 =	vld [tilespmem:s30+$0x70]  }
0xb7: {  	v59 =	vld [tilespmem:s30+$0xFFFFFFF0];
	v26 =	vadd.f32 v27, v26;
	v24 =	vadd.f32 v62, v24  }
0xb8: {  	v39 =	vmul.f32 v39, v23;
	v25 =	vadd.f32 v25, v32;
	v29, _, _ =	vpop (xrf2);
	(xrf2) =	vadd.scan.msk.f32 $0xffff, v30;
	v27 =	vmul.f32 v56, v17;
	v56 =	vld [tilespmem:$0x1FFC0]  }
0xb9: {  	v34 =	vmul.f32 v48, v17;
	v30, _, _ =	vpop (xrf2);
	v51 =	vmul.f32 v63, v18;
	v63 =	vld [tilespmem:s30+$0x310];
	v26 =	vadd.f32 v31, v26;
	(xrf2) =	vadd.scan.msk.f32 $0xffff, v24  }
0xba: {  	v28 =	vmul.f32 v45, v19;
	v49 =	vmul.f32 v61, v18;
	v37, _, _ =	vpop (xrf2);
	v27 =	vadd.f32 v27, v33;
	v24 =	vld [tilespmem:s30+$0x40]  }
0xbb: {  	v25 =	vadd.f32 v39, v25;
	v48 =	vmul.f32 v52, v21;
	v32 =	vadd.f32 v34, v47;
	v35, _, _ =	vpop (xrf2);
	(xrf2) =	vadd.scan.msk.f32 $0xffff, v26;
	v26 =	vld [tilespmem:s30+$0xFFFFFFE0]  }
0xbc: {  	v58 =	vmul.f32 v46, v20;
	v53 =	vmul.f32 v44, v19;
	v41, _, _ =	vpop (xrf2);
	v27 =	vadd.f32 v49, v27;
	v49 =	vld [tilespmem:s30+$0x300]  }
0xbd: {  	v61 =	vmul.f32 v50, v21;
	v50 =	vmul.f32 v55, v22;
	v32 =	vadd.f32 v51, v32;
	v51 =	vld [tilespmem:s30+$0x380];
	v54, _, _ =	vpop (xrf2)  }
0xbe: {  	v55 =	vmul.f32 v60, v23;
	v38 =	vbroadcast v54, $0xF;
	v54 =	vld [tilespmem:$0x1FFE0];
	v27 =	vadd.f32 v53, v27  }
0xbf: {  	v28 =	vadd.f32 v28, v32;
	v36 =	vmul.f32 v59, v23;
	v39 =	vadd.f32 v57, v56  }
0xc0: {  	v42, _, _ =	vpop (xrf2);
	v56 =	vld [tilespmem:s30+$0x3A0];
	v57 =	vmul.f32 v63, v17;
	v24 =	vmul.f32 v24, v20;
	v27 =	vadd.f32 v58, v27  }
0xc1: {  	(xrf2) =	vadd.scan.msk.f32 $0xffff, v25;
	v25, _, _ =	vpop (xrf2);
	v26 =	vmul.f32 v26, v22;
	v40 =	vmul.f32 v49, v16  }
0xc2: {  	v58 =	vld [tilespmem:$0x1FFF0];
	v25 =	vbroadcast v25, $0xF;
	v62, _, _ =	vpop (xrf2);
	v24 =	vadd.f32 v24, v28;
	v27 =	vadd.f32 v61, v27  }
0xc3: {  	v53 =	vld [tilespmem:s30+$0x320];
	v45 =	vmul.f32 v54, v19;
	v61 =	vmul.f32 v51, v16;
	v52, _, _ =	vpop (xrf2)  }
0xc4: {  	v24 =	vadd.f32 v48, v24;
	v26 =	vadd.f32 v26, v27;
	v27 =	vbroadcast v52, $0xF  }
0xc5: {  	v60 =	vld [tilespmem:s30+$0x340];
	v31 =	vmul.f32 v56, v18;
	v33 =	vbroadcast v62, $0xF  }
0xc6: {  	v51 =	vld [tilespmem:s30+$0x3D0];
	v24 =	vadd.f32 v50, v24;
	v26 =	vadd.f32 v36, v26;
	v59, _, _ =	vpop (xrf2);
	v27 =	vmul.f32 v0, v27  }
0xc7: {  	v62 =	vld [tilespmem:s30+$0x3B0];
	v32 =	vadd.f32 v57, v40;
	v43 =	vmul.f32 v58, v17;
	v36 =	vbroadcast v59, $0xF  }
0xc8: {  	v49 =	vld [tilespmem:s30+$0x3C0];
	v24 =	vadd.f32 v55, v24;
	(xrf2) =	vadd.scan.msk.f32 $0xffff, v26;
	v26 =	vadd.f32 v27, v39;
	v27 =	vmul.f32 v53, v18  }
0xc9: {  	v63 =	vld [tilespmem:s30+$0x350];
	v25 =	vmul.f32 v3, v25;
	v36 =	vmul.f32 v1, v36  }
0xca: {  	v33 =	vmul.f32 v2, v33;
	v28 =	vadd.f32 v43, v61;
	(xrf2) =	vadd.scan.msk.f32 $0xffff, v24;
	v24 =	vadd.f32 v27, v32  }
0xcb: {  	v50 =	vmul.f32 v60, v20;
	v57 =	vmul.f32 v51, v21;
	v27 =	vld [tilespmem:s30+$0x360];
	v26 =	vadd.f32 v36, v26  }
0xcc: {  	v54 =	vld [tilespmem:s30+$0x3E0];
	v48, _, _ =	vpop (xrf2);
	v34 =	vmul.f32 v62, v19;
	v28 =	vadd.f32 v31, v28;
	v24 =	vadd.f32 v45, v24  }
0xcd: {  	v52 =	vld [tilespmem:s30+$0x370];
	v55 =	vmul.f32 v49, v20;
	v39 =	vbroadcast v48, $0xF;
	v26 =	vadd.f32 v33, v26  }
0xce: {  	v53 =	vmul.f32 v63, v21;
	v28 =	vadd.f32 v34, v28;
	v24 =	vadd.f32 v50, v24  }
0xcf: {  	v56 =	vld [tilespmem:s30+$0x3F0];
	v39 =	vmul.f32 v4, v39;
	v25 =	vadd.f32 v25, v26;
	v26 =	vbroadcast v42, $0xF  }
0xd0: {  	v28 =	vadd.f32 v55, v28;
	v27 =	vmul.f32 v27, v22;
	v24 =	vadd.f32 v53, v24  }
0xd1: {  	v59 =	vmul.f32 v54, v22;
	v25 =	vadd.f32 v39, v25;
	v26 =	vmul.f32 v5, v26  }
0xd2: {  	v31 =	vmul.f32 v52, v23;
	v58, _, _ =	vpop (xrf2);
	v24 =	vadd.f32 v27, v24;
	v27 =	vadd.f32 v57, v28  }
0xd3: {  	v60 =	vbroadcast v58, $0xF;
	v25 =	vadd.f32 v26, v25;
	v26 =	vmul.f32 v6, v38  }
0xd4: {  	v62 =	vmul.f32 v56, v23;
	v61, _, _ =	vpop (xrf2);
	v24 =	vadd.f32 v31, v24;
	v27 =	vadd.f32 v59, v27  }
0xd5: {  	v63 =	vbroadcast v61, $0xF;
	v25 =	vadd.f32 v26, v25;
	v26 =	vmul.f32 v7, v60  }
0xd6: {  	(xrf2) =	vadd.scan.msk.f32 $0xffff, v24;
	v24 =	vadd.f32 v62, v27  }
0xd7: {  	v27 =	vbroadcast v41, $0xF;
	v25 =	vadd.f32 v26, v25;
	v26 =	vmul.f32 v8, v63  }
0xd8: {  	(xrf2) =	vadd.scan.msk.f32 $0xffff, v24  }
0xd9: {  	v24 =	vbroadcast v35, $0xF;
	v25 =	vadd.f32 v26, v25;
	v26 =	vmul.f32 v9, v27;
	_ =	sdelay $0x1  }
0xda: {  	v27 =	vbroadcast v37, $0xF;
	v25 =	vadd.f32 v26, v25;
	v24 =	vmul.f32 v10, v24  }
0xdb: {  	v26 =	vbroadcast v30, $0xF  }
0xdc: {  	v24 =	vadd.f32 v24, v25;
	v25 =	vmul.f32 v11, v27  }
0xdd: {  	v27 =	vbroadcast v29, $0xF  }
0xde: {  	v24 =	vadd.f32 v25, v24;
	v25 =	vmul.f32 v12, v26  }
0xdf: {  	v26, _, _ =	vpop (xrf2)  }
0xe0: {  	v24 =	vadd.f32 v25, v24;
	v25 =	vmul.f32 v13, v27;
	v26 =	vbroadcast v26, $0xF  }
0xe1: {  	v27, _, _ =	vpop (xrf2)  }
0xe2: {  	v25 =	vadd.f32 v25, v24;
	v26 =	vmul.f32 v14, v26;
	v27 =	vbroadcast v27, $0xF  }
0xe3: {  	v24 =	vld [tilespmem:s29+$0x10C00]  }
0xe4: {  	s31 =	simm.s32 $0x40;
	v25 =	vadd.f32 v26, v25;
	v26 =	vmul.f32 v15, v27  }
.LBB2_2:
0xe5: {  	s0 =	smov.u32 s31  }
0xe6: {  	s5 =	sshra.s32 s31, $0x2;
	s30 =	sadd.s32 $0x800, s30;
	v25 =	vadd.f32 v26, v25;
	s0 =	sadd.s32 $0x40, s31  }
0xe7: {  	p0 =	sne.s32 s31, $0x7C0;
	v27 =	vld [tilespmem:s5+$0x10800]  }
0xe8: {  	v28 =	vld [tilespmem:s5+$0x10A00];
	[tilespmem:s29+$0x10E80] =	vst v25;
	v24 =	vadd.f32 v25, v24;
	_ =	sdelay $0x1  }
0xe9: {  	[tilespmem:s29+$0x11080] =	vst v24;
	s29 =	smov.u32 s5  }
0xea: {  	v26 =	vld [tilespmem:s30+$0x330]  }
0xeb: {  	v25 =	vld [tilespmem:s30+$0x390]  }
0xec: {  	v24 =	vadd.f32 v28, v27;
	v28 =	vld [tilespmem:s30+$0x2B0]  }
0xed: {  	v31 =	vld [tilespmem:s30+$0x2F0]  }
0xee: {  	v32 =	vld [tilespmem:s30+$0x2E0]  }
0xef: {  	v33 =	vld [tilespmem:s30+$0x2D0]  }
0xf0: {  	v34 =	vld [tilespmem:s30+$0x2C0]  }
0xf1: {  	v30 =	vld [tilespmem:s30+$0x2A0]  }
0xf2: {  	v35 =	vld [tilespmem:s30+$0x150]  }
0xf3: {  	v36 =	vld [tilespmem:s30+$0x260]  }
0xf4: {  	v27 =	vld [tilespmem:s30+$0x170]  }
0xf5: {  	v29 =	vld [tilespmem:s30+$0x290]  }
0xf6: {  	v37 =	vld [tilespmem:s30+$0x280]  }
0xf7: {  	v38 =	vld [tilespmem:s30+$0x270]  }
0xf8: {  	v39 =	vld [tilespmem:s30+$0x250]  }
0xf9: {  	v40 =	vld [tilespmem:s30+$0x210]  }
0xfa: {  	v41 =	vld [tilespmem:s30+$0x240];
	v42 =	vmul.f32 v29, v17  }
0xfb: {  	v43 =	vld [tilespmem:s30+$0x230];
	v37 =	vmul.f32 v37, v16  }
0xfc: {  	v44 =	vld [tilespmem:s30+$0x220]  }
0xfd: {  	v30 =	vmul.f32 v30, v18;
	v29 =	vld [tilespmem:s30+$0xF0];
	v37 =	vadd.f32 v42, v37  }
0xfe: {  	v42 =	vld [tilespmem:s30+$0x200];
	v40 =	vmul.f32 v40, v17  }
0xff: {  	v28 =	vmul.f32 v28, v19;
	v45 =	vld [tilespmem:s30+$0x140];
	v37 =	vadd.f32 v30, v37  }
0x100: {  	v46 =	vld [tilespmem:s30+$0x130]  }
0x101: {  	v34 =	vmul.f32 v34, v20;
	v30 =	vld [tilespmem:s30+$0xE0];
	v28 =	vadd.f32 v28, v37  }
0x102: {  	v37 =	vld [tilespmem:s30+$0xD0]  }
0x103: {  	v33 =	vmul.f32 v33, v21;
	v47 =	vld [tilespmem:s30+$0x1C0];
	v42 =	vmul.f32 v42, v16;
	v28 =	vadd.f32 v34, v28  }
0x104: {  	v32 =	vmul.f32 v32, v22;
	v34 =	vld [tilespmem:s30+$0xC0]  }
0x105: {  	v48 =	vld [tilespmem:s30+$0x1F0];
	v40 =	vadd.f32 v40, v42;
	v42 =	vmul.f32 v44, v18;
	v28 =	vadd.f32 v33, v28  }
0x106: {  	v31 =	vmul.f32 v31, v23;
	v33 =	vld [tilespmem:s30+$0x1E0]  }
0x107: {  	v44 =	vld [tilespmem:s30+$0x1D0];
	v40 =	vadd.f32 v42, v40;
	v42 =	vmul.f32 v43, v19;
	v28 =	vadd.f32 v32, v28  }
0x108: {  	v32 =	vld [tilespmem:s30+$0x1B0]  }
0x109: {  	v41 =	vmul.f32 v41, v20;
	v43 =	vld [tilespmem:s30+$0x1A0];
	v40 =	vadd.f32 v42, v40;
	v28 =	vadd.f32 v31, v28  }
0x10a: {  	v31 =	vld [tilespmem:s30+$0x190]  }
0x10b: {  	v39 =	vmul.f32 v39, v21;
	v42 =	vld [tilespmem:s30+$0x180];
	v40 =	vadd.f32 v41, v40;
	(xrf2) =	vadd.scan.msk.f32 $0xffff, v28  }
0x10c: {  	v28 =	vld [tilespmem:s30+$0x160]  }
0x10d: {  	v36 =	vmul.f32 v36, v22;
	v41 =	vld [tilespmem:s30+$0x120];
	v39 =	vadd.f32 v39, v40  }
0x10e: {  	v40 =	vld [tilespmem:s30+$0x110]  }
0x10f: {  	v38 =	vmul.f32 v38, v23;
	v49 =	vld [tilespmem:s30+$0x100];
	v31 =	vmul.f32 v31, v17;
	v36 =	vadd.f32 v36, v39  }
0x110: {  	v39 =	vld [tilespmem:s30+$0xB0];
	v42 =	vmul.f32 v42, v16  }
0x111: {  	v50 =	vld [tilespmem:s30+$0xA0];
	v36 =	vadd.f32 v38, v36  }
0x112: {  	v38 =	vld [tilespmem:s30+$0x90];
	v31 =	vadd.f32 v31, v42;
	v42 =	vmul.f32 v43, v18  }
0x113: {  	v51 =	vmul.f32 v32, v19;
	v43 =	vld [tilespmem:s30+$0x80];
	(xrf2) =	vadd.scan.msk.f32 $0xffff, v36  }
0x114: {  	v40 =	vmul.f32 v40, v17;
	v32 =	vld [tilespmem:s30+$0x10];
	v36 =	vmul.f32 v49, v16;
	v31 =	vadd.f32 v42, v31  }
0x115: {  	v35 =	vmul.f32 v35, v21;
	v47 =	vmul.f32 v47, v20;
	v42 =	vld [tilespmem:s30+$0xFFFFFF70];
	v49, _, _ =	vpop (xrf2)  }
0x116: {  	v52 =	vld [tilespmem:s30+$0xFFFFFF60];
	v36 =	vadd.f32 v40, v36;
	v40 =	vmul.f32 v41, v18;
	v31 =	vadd.f32 v51, v31  }
0x117: {  	v46 =	vmul.f32 v46, v19;
	v41 =	vld [tilespmem:s30+$0xFFFFFF50];
	v38 =	vmul.f32 v38, v17  }
0x118: {  	v51 =	vld [tilespmem:s30+$0xFFFFFF40];
	v43 =	vmul.f32 v43, v16;
	v36 =	vadd.f32 v40, v36;
	v31 =	vadd.f32 v47, v31  }
0x119: {  	v45 =	vmul.f32 v45, v20;
	v44 =	vmul.f32 v44, v21;
	v40 =	vld [tilespmem:s30+$0xFFFFFF30]  }
0x11a: {  	v47 =	vld [tilespmem:s30+$0xFFFFFF20];
	v38 =	vadd.f32 v38, v43;
	v43 =	vmul.f32 v50, v18;
	v36 =	vadd.f32 v46, v36  }
0x11b: {  	v50 =	vmul.f32 v27, v23;
	v27 =	vadd.f32 v44, v31;
	v31 =	vmul.f32 v33, v22;
	v46 =	vld [tilespmem:s30+$0xFFFFFF10]  }
0x11c: {  	v39 =	vmul.f32 v39, v19;
	v33 =	vld [tilespmem:s30+$0xFFFFFF00];
	v38 =	vadd.f32 v43, v38;
	v36 =	vadd.f32 v45, v36  }
0x11d: {  	v34 =	vmul.f32 v34, v20;
	v27 =	vadd.f32 v31, v27;
	v31 =	vmul.f32 v48, v23;
	v43 =	vld [tilespmem:s30+$0xFFFFFE70];
	v44, _, _ =	vpop (xrf2)  }
0x11e: {  	v28 =	vmul.f32 v28, v22;
	v45 =	vld [tilespmem:s30+$0xFFFFFE60];
	v38 =	vadd.f32 v39, v38;
	v35 =	vadd.f32 v35, v36  }
0x11f: {  	v37 =	vmul.f32 v37, v21;
	v31 =	vadd.f32 v31, v27;
	v27 =	vbroadcast v44, $0xF;
	v36 =	vld [tilespmem:s30+$0xFFFFFDF0]  }
0x120: {  	v39 =	vld [tilespmem:s30+$0xFFFFFDE0];
	v44 =	vmul.f32 v46, v17;
	v34 =	vadd.f32 v34, v38;
	v35 =	vadd.f32 v28, v35  }
0x121: {  	v28 =	vbroadcast v49, $0xF;
	v38 =	vld [tilespmem:s30+$0xFFFFFDD0];
	v33 =	vmul.f32 v33, v16;
	(xrf2) =	vadd.scan.msk.f32 $0xffff, v31  }
0x122: {  	v30 =	vmul.f32 v30, v22;
	v46 =	vld [tilespmem:s30+$0xFFFFFE50];
	v31 =	vadd.f32 v37, v34;
	v34 =	vadd.f32 v50, v35  }
0x123: {  	v37 =	vmul.f32 v47, v18;
	v35 =	vld [tilespmem:s30+$0xFFFFFEF0];
	v33 =	vadd.f32 v44, v33  }
0x124: {  	v29 =	vmul.f32 v29, v23;
	v44 =	vld [tilespmem:s30+$0xFFFFFEE0];
	v30 =	vadd.f32 v30, v31;
	(xrf2) =	vadd.scan.msk.f32 $0xffff, v34  }
0x125: {  	v47 =	vld [tilespmem:s30+$0xFFFFFED0];
	v31 =	vadd.f32 v37, v33;
	v33 =	vmul.f32 v40, v19  }
0x126: {  	v34 =	vld [tilespmem:s30+$0xFFFFFEC0];
	v29 =	vadd.f32 v29, v30  }
0x127: {  	v37 =	vld [tilespmem:s30+$0xFFFFFEB0];
	v30 =	vadd.f32 v33, v31;
	v31 =	vmul.f32 v51, v20  }
0x128: {  	v33 =	vld [tilespmem:s30+$0xFFFFFEA0];
	(xrf2) =	vadd.scan.msk.f32 $0xffff, v29  }
0x129: {  	v40 =	vld [tilespmem:s30+$0xFFFFFE90];
	v49 =	vadd.f32 v31, v30;
	v30 =	vmul.f32 v41, v21  }
0x12a: {  	v31 =	vld [tilespmem:s30+$0xFFFFFE80]  }
0x12b: {  	v48 =	vmul.f32 v52, v22;
	v41 =	vld [tilespmem:s30+$0xFFFFFD60];
	v30 =	vadd.f32 v30, v49;
	v29, _, _ =	vpop (xrf2)  }
0x12c: {  	v49 =	vld [tilespmem:s30+$0xFFFFFD70];
	v29 =	vbroadcast v29, $0xF  }
0x12d: {  	v42 =	vmul.f32 v42, v23;
	v50 =	vld [tilespmem:s30+$0xFFFFFD40];
	v30 =	vadd.f32 v48, v30  }
0x12e: {  	v48 =	vld [tilespmem:s30+$0xFFFFFE40];
	v51, _, _ =	vpop (xrf2)  }
0x12f: {  	v40 =	vmul.f32 v40, v17;
	v52 =	vld [tilespmem:s30+$0xFFFFFE30];
	v31 =	vmul.f32 v31, v16;
	v54 =	vadd.f32 v42, v30  }
0x130: {  	v30 =	vbroadcast v51, $0xF;
	v53 =	vld [tilespmem:s30+$0xFFFFFD50]  }
0x131: {  	v33 =	vmul.f32 v33, v18;
	v51 =	vld [tilespmem:s30+$0xFFFFFE20];
	v31 =	vadd.f32 v40, v31;
	(xrf2) =	vadd.scan.msk.f32 $0xffff, v54  }
0x132: {  	v40 =	vld [tilespmem:s30+$0xFFFFFE10];
	v42, _, _ =	vpop (xrf2)  }
0x133: {  	v37 =	vmul.f32 v37, v19;
	v54 =	vld [tilespmem:s30+$0xFFFFFE00];
	v33 =	vadd.f32 v33, v31;
	v31 =	vbroadcast v42, $0xF  }
0x134: {  	v42 =	vld [tilespmem:s30+$0xFFFFFD30]  }
0x135: {  	v55 =	vld [tilespmem:s30+$0xFFFFFDC0];
	v33 =	vadd.f32 v37, v33;
	v37 =	vmul.f32 v34, v20  }
0x136: {  	v34 =	vmul.f32 v43, v23;
	v56 =	vld [tilespmem:s30+$0xFFFFFDB0]  }
0x137: {  	v43 =	vld [tilespmem:s30+$0xFFFFFDA0];
	v40 =	vmul.f32 v40, v17;
	v33 =	vadd.f32 v37, v33;
	v37 =	vmul.f32 v47, v21  }
0x138: {  	v45 =	vmul.f32 v45, v22;
	v47 =	vld [tilespmem:s30+$0xFFFFFD90];
	v54 =	vmul.f32 v54, v16  }
0x139: {  	v36 =	vmul.f32 v36, v23;
	v58 =	vmul.f32 v44, v22;
	v57 =	vld [tilespmem:s30+$0xFFFFFD80];
	v33 =	vadd.f32 v37, v33  }
0x13a: {  	v39 =	vmul.f32 v39, v22;
	v51 =	vmul.f32 v51, v18;
	v44 =	vld [tilespmem:s30+$0xFFFFFD20];
	v40 =	vadd.f32 v40, v54  }
0x13b: {  	v38 =	vmul.f32 v38, v21;
	v35 =	vmul.f32 v35, v23;
	v54 =	vld [tilespmem:s30+$0xFFFFFD10];
	v33 =	vadd.f32 v58, v33;
	v37, _, _ =	vpop (xrf2)  }
0x13c: {  	v46 =	vmul.f32 v46, v21;
	v58 =	vld [tilespmem:s30+$0xFFFFFD00];
	v40 =	vadd.f32 v51, v40;
	v51 =	vmul.f32 v52, v19  }
0x13d: {  	v49 =	vmul.f32 v49, v23;
	v52 =	vld [tilespmem:s30+$0xFFFFFC90];
	v47 =	vmul.f32 v47, v17;
	v33 =	vadd.f32 v35, v33  }
0x13e: {  	v41 =	vmul.f32 v41, v22;
	v35 =	vld [tilespmem:s30+$0xFFFFFC10];
	v57 =	vmul.f32 v57, v16;
	v40 =	vadd.f32 v51, v40  }
0x13f: {  	v50 =	vmul.f32 v50, v20;
	v48 =	vmul.f32 v48, v20;
	v51 =	vld [tilespmem:s30+$0xFFFFFC00];
	(xrf2) =	vadd.scan.msk.f32 $0xffff, v33  }
0x140: {  	v43 =	vmul.f32 v43, v18;
	v33 =	vld [tilespmem:s30+$0xFFFFFC80];
	v54 =	vmul.f32 v54, v17;
	v47 =	vadd.f32 v47, v57  }
0x141: {  	v42 =	vmul.f32 v42, v19;
	v40 =	vadd.f32 v48, v40;
	v57 =	vld [tilespmem:s30+$0xFFFFFC20];
	v58 =	vmul.f32 v58, v16  }
0x142: {  	v53 =	vmul.f32 v53, v21;
	v48 =	vld [tilespmem:s30+$0xFFFFFCA0];
	v43 =	vadd.f32 v43, v47;
	v47 =	vmul.f32 v56, v19  }
0x143: {  	v55 =	vmul.f32 v55, v20;
	v44 =	vmul.f32 v44, v18;
	v56 =	vld [tilespmem:s30+$0xFFFFFC30];
	v54 =	vadd.f32 v54, v58  }
0x144: {  	v35 =	vmul.f32 v35, v17;
	v51 =	vmul.f32 v51, v16;
	v58 =	vld [tilespmem:s30+$0xFFFFFCB0];
	v43 =	vadd.f32 v47, v43  }
0x145: {  	v52 =	vmul.f32 v52, v17;
	v47 =	vld [tilespmem:s30+$0xFFFFFC40];
	v33 =	vmul.f32 v33, v16;
	v44 =	vadd.f32 v44, v54  }
0x146: {  	v35 =	vadd.f32 v35, v51;
	v51 =	vmul.f32 v57, v18;
	v54 =	vld [tilespmem:s30+$0xFFFFFCC0];
	v43 =	vadd.f32 v55, v43  }
0x147: {  	v55 =	vld [tilespmem:s30+$0xFFFFFC50];
	v57 =	vadd.f32 v52, v33;
	v48 =	vmul.f32 v48, v18;
	v42 =	vadd.f32 v42, v44  }
0x148: {  	v35 =	vadd.f32 v51, v35;
	v44 =	vmul.f32 v56, v19;
	v51 =	vld [tilespmem:s30+$0xFFFFFCD0];
	v38 =	vadd.f32 v38, v43  }
0x149: {  	v43 =	vld [tilespmem:s30+$0xFFFFFC60];
	v48 =	vadd.f32 v48, v57;
	v52 =	vmul.f32 v58, v19;
	v42 =	vadd.f32 v50, v42;
	v33, _, _ =	vpop (xrf2)  }
0x14a: {  	v35 =	vadd.f32 v44, v35;
	v44 =	vmul.f32 v47, v20;
	v47 =	vld [tilespmem:s30+$0xFFFFFCE0];
	v38 =	vadd.f32 v39, v38  }
0x14b: {  	v39 =	vld [tilespmem:s30+$0xFFFFFC70];
	v48 =	vadd.f32 v52, v48;
	v50 =	vmul.f32 v54, v20;
	v42 =	vadd.f32 v53, v42  }
0x14c: {  	v35 =	vadd.f32 v44, v35;
	v44 =	vmul.f32 v55, v21;
	v52 =	vld [tilespmem:s30+$0xFFFFFCF0];
	v36 =	vadd.f32 v36, v38  }
0x14d: {  	v38 =	vadd.f32 v50, v48;
	v48 =	vmul.f32 v51, v21;
	v41 =	vadd.f32 v41, v42;
	v42 =	vld [tilespmem:s30+$0xFFFFFF90]  }
0x14e: {  	v40 =	vadd.f32 v46, v40;
	v35 =	vadd.f32 v44, v35;
	v43 =	vmul.f32 v43, v22;
	v44 =	vld [tilespmem:s30+$0xFFFFFF80];
	(xrf2) =	vadd.scan.msk.f32 $0xffff, v36  }
0x14f: {  	v36 =	vadd.f32 v48, v38;
	v38 =	vmul.f32 v47, v22;
	v41 =	vadd.f32 v49, v41;
	v46 =	vld [tilespmem:s30+$0x0]  }
0x150: {  	v40 =	vadd.f32 v45, v40;
	v43 =	vadd.f32 v43, v35;
	v39 =	vmul.f32 v39, v23;
	v45 =	vld [tilespmem:s30+$0xFFFFFFA0]  }
0x151: {  	v35 =	vbroadcast v37, $0xF;
	v36 =	vadd.f32 v38, v36;
	v38 =	vmul.f32 v52, v23;
	v37 =	vld [tilespmem:s30+$0x20];
	(xrf2) =	vadd.scan.msk.f32 $0xffff, v41  }
0x152: {  	v34 =	vadd.f32 v34, v40;
	v39 =	vadd.f32 v39, v43;
	v40 =	vmul.f32 v42, v17;
	v41 =	vld [tilespmem:s30+$0xFFFFFFB0]  }
0x153: {  	v36 =	vadd.f32 v38, v36;
	v38 =	vmul.f32 v44, v16;
	v42 =	vld [tilespmem:s30+$0x30]  }
0x154: {  	v32 =	vmul.f32 v32, v17;
	v43 =	vld [tilespmem:s30+$0xFFFFFFC0];
	v44 =	vmul.f32 v46, v16;
	(xrf2) =	vadd.scan.msk.f32 $0xffff, v39  }
0x155: {  	v38 =	vadd.f32 v40, v38;
	v39 =	vmul.f32 v45, v18;
	v40 =	vld [tilespmem:s30+$0x40]  }
0x156: {  	v45 =	vld [tilespmem:s30+$0xFFFFFFD0];
	v32 =	vadd.f32 v32, v44;
	v37 =	vmul.f32 v37, v18  }
0x157: {  	v38 =	vadd.f32 v39, v38;
	v39 =	vmul.f32 v41, v19;
	v41 =	vld [tilespmem:s30+$0x50];
	(xrf2) =	vadd.scan.msk.f32 $0xffff, v36  }
0x158: {  	v36 =	vld [tilespmem:s30+$0xFFFFFFE0];
	v32 =	vadd.f32 v37, v32;
	v37 =	vmul.f32 v42, v19;
	v42, _, _ =	vpop (xrf2)  }
0x159: {  	v42 =	vbroadcast v42, $0xF;
	v38 =	vadd.f32 v39, v38;
	v39 =	vmul.f32 v43, v20;
	v43 =	vld [tilespmem:s30+$0x60]  }
0x15a: {  	v44 =	vld [tilespmem:s30+$0xFFFFFFF0];
	v32 =	vadd.f32 v37, v32;
	v37 =	vmul.f32 v40, v20;
	(xrf2) =	vadd.scan.msk.f32 $0xffff, v34  }
0x15b: {  	v34 =	vadd.f32 v39, v38;
	v38 =	vmul.f32 v45, v21;
	v39 =	vld [tilespmem:s30+$0x70];
	v40, _, _ =	vpop (xrf2)  }
0x15c: {  	v40 =	vbroadcast v40, $0xF;
	v32 =	vadd.f32 v37, v32;
	v37 =	vmul.f32 v41, v21;
	v41 =	vld [tilespmem:s30+$0x310]  }
0x15d: {  	v34 =	vadd.f32 v38, v34;
	v36 =	vmul.f32 v36, v22;
	v38 =	vld [tilespmem:s30+$0x300]  }
0x15e: {  	v32 =	vadd.f32 v37, v32;
	v37 =	vmul.f32 v43, v22;
	v43 =	vld [tilespmem:s30+$0x380];
	v45, _, _ =	vpop (xrf2)  }
0x15f: {  	v26 =	vmul.f32 v26, v19;
	v34 =	vadd.f32 v36, v34;
	v36 =	vmul.f32 v44, v23;
	v44 =	vld [tilespmem:s30+$0x320]  }
0x160: {  	v45 =	vbroadcast v45, $0xF;
	v32 =	vadd.f32 v37, v32;
	v37 =	vmul.f32 v39, v23;
	v39 =	vld [tilespmem:s30+$0x3A0]  }
0x161: {  	v25 =	vmul.f32 v25, v17;
	v34 =	vadd.f32 v36, v34;
	v36 =	vmul.f32 v41, v17;
	v41, _, _ =	vpop (xrf2)  }
0x162: {  	v47 =	vmul.f32 v0, v45;
	v41 =	vbroadcast v41, $0xF;
	v32 =	vadd.f32 v37, v32;
	v37 =	vld [tilespmem:s30+$0x340]  }
0x163: {  	v38 =	vmul.f32 v38, v16;
	v46 =	vld [tilespmem:s30+$0x350];
	v43 =	vmul.f32 v43, v16;
	(xrf2) =	vadd.scan.msk.f32 $0xffff, v34  }
0x164: {  	v24 =	vadd.f32 v47, v24;
	v34 =	vmul.f32 v1, v41;
	v41 =	vmul.f32 v44, v18;
	v44 =	vld [tilespmem:s30+$0x3B0];
	v45, _, _ =	vpop (xrf2)  }
0x165: {  	v36 =	vadd.f32 v36, v38;
	v45 =	vbroadcast v45, $0xF;
	v25 =	vadd.f32 v25, v43  }
0x166: {  	v38 =	vmul.f32 v39, v18;
	v24 =	vadd.f32 v34, v24;
	v34 =	vmul.f32 v2, v40;
	v39 =	vld [tilespmem:s30+$0x3C0];
	(xrf2) =	vadd.scan.msk.f32 $0xffff, v32  }
0x167: {  	v32 =	vadd.f32 v41, v36;
	v36 =	vmul.f32 v37, v20;
	v37 =	vld [tilespmem:s30+$0x360]  }
0x168: {  	v25 =	vadd.f32 v38, v25;
	v24 =	vadd.f32 v34, v24;
	v34 =	vmul.f32 v3, v42;
	v38 =	vld [tilespmem:s30+$0x3D0]  }
0x169: {  	v26 =	vadd.f32 v26, v32;
	v32 =	vmul.f32 v46, v21;
	v40 =	vld [tilespmem:s30+$0x370];
	v41 =	vmul.f32 v44, v19  }
0x16a: {  	v33 =	vbroadcast v33, $0xF;
	v24 =	vadd.f32 v34, v24;
	v34 =	vmul.f32 v4, v45  }
0x16b: {  	v26 =	vadd.f32 v36, v26;
	v25 =	vadd.f32 v41, v25;
	v36 =	vmul.f32 v39, v20;
	v39 =	vld [tilespmem:s30+$0x3E0]  }
0x16c: {  	v33 =	vmul.f32 v5, v33;
	v24 =	vadd.f32 v34, v24;
	v34 =	vmul.f32 v37, v22  }
0x16d: {  	v26 =	vadd.f32 v32, v26;
	v25 =	vadd.f32 v36, v25;
	v32 =	vmul.f32 v38, v21;
	v36 =	vld [tilespmem:s30+$0x3F0];
	v37, _, _ =	vpop (xrf2)  }
0x16e: {  	v38 =	vmul.f32 v6, v35;
	v24 =	vadd.f32 v33, v24;
	v35 =	vmul.f32 v40, v23  }
0x16f: {  	v37 =	vbroadcast v37, $0xF;
	v26 =	vadd.f32 v34, v26;
	v25 =	vadd.f32 v32, v25  }
0x170: {  	v24 =	vadd.f32 v38, v24;
	v32 =	vmul.f32 v39, v22;
	v33, _, _ =	vpop (xrf2)  }
0x171: {  	v34 =	vmul.f32 v7, v37;
	v26 =	vadd.f32 v35, v26;
	v33 =	vbroadcast v33, $0xF  }
0x172: {  	v25 =	vadd.f32 v32, v25;
	v32 =	vmul.f32 v36, v23  }
0x173: {  	v24 =	vadd.f32 v34, v24;
	v33 =	vmul.f32 v8, v33;
	(xrf2) =	vadd.scan.msk.f32 $0xffff, v26  }
0x174: {  	v25 =	vadd.f32 v32, v25  }
0x175: {  	v26 =	vmul.f32 v9, v31;
	v24 =	vadd.f32 v33, v24  }
0x176: {  	(xrf2) =	vadd.scan.msk.f32 $0xffff, v25  }
0x177: {  	v25 =	vmul.f32 v10, v30;
	v24 =	vadd.f32 v26, v24;
	_ =	sdelay $0x1  }
0x178: {  	v24 =	vadd.f32 v25, v24;
	v25 =	vmul.f32 v11, v29;
	_ =	sdelay $0x1  }
0x179: {  	v24 =	vadd.f32 v25, v24;
	v25 =	vmul.f32 v12, v27;
	_ =	sdelay $0x1  }
0x17a: {  	v24 =	vadd.f32 v25, v24;
	v25 =	vmul.f32 v13, v28;
	v26, _, _ =	vpop (xrf2);
	_ =	sdelay $0x1  }
.Ltmp0:
0x17b: {  	v25 =	vadd.f32 v25, v24;
	v24 =	vbroadcast v26, $0xF;
	(pc) =	sbr.rel @p0 .LBB2_2-.Ltmp0, $4  }
0x17c: {  	v26, _, _ =	vpop (xrf2)  }
0x17d: {  	v27 =	vmul.f32 v14, v24;
	v26 =	vbroadcast v26, $0xF  }
0x17e: {  	v24 =	vld [tilespmem:s29+$0x10C00]  }
0x17f: {  	s31 =	smov.u32 s0;
	v25 =	vadd.f32 v27, v25;
	v26 =	vmul.f32 v15, v26  }
0x180: {  	_ = 	snop  }
0x181: {  	v16 =	vadd.f32 v26, v25;
	_ =	sdelay $0x1  }
0x182: {  	v17 =	vadd.f32 v16, v24  }
0x183: {  	[tilespmem:s29+$0x10E80] =	vst v16  }
0x184: {  	[tilespmem:s29+$0x11080] =	vst v17  }
0x185: {  	[hbm4b:s12+s3] =	stream.linear.scatter [tilespmem:s25], [sflag:$0x2], $0x200, $0x38;
	[tilespmem:$0x11280] =	vst v63  }
0x186: {  	s28 =	sadd.s32 $0x1, s28;
	_ =	swait.ge [sflag:s15], $0x200  }
0x187: {  	p0 =	sne.s32 s28, s14;
	[sflag:s15] =	ssyncset.done $0x0  }
.Ltmp1:
0x188: {  	[sflag:s15] =	ssyncadd.s32 $0xFFFFFE00;
	(pc) =	sbr.rel @p0 .LBB2_1-.Ltmp1, $4  }
0x189: {  	[hbm4b:s13+s3] =	stream.linear.scatter [tilespmem:s26], [sflag:$0x2], $0x200, $0x38;
	[tilespmem:$0x11280] =	vst v63  }
0x18a: {  	_ =	swait.ge [sflag:s15], $0x200  }
0x18b: {  	[sflag:s15] =	ssyncset.done $0x0  }
0x18c: {  	[sflag:s15] =	ssyncadd.s32 $0xFFFFFE00  }
0x18d: {  	_ =	sfence.sel $0x180000  }
0x18e: {  	[bflag:$0x0] =	sbarrier.arrive $0xFFFF  }
0x18f: {  	_ =	strace $0x90000047  }
0x190: {  	s0 =	stileid.u32;
	[bflag:$0x2] =	sbarrier.arrive $0xFFFF  }
0x191: {  	p0 =	sne.s32 s0, $0x0;
	s0 =	rddreg [dreg:$0x9]  }
0x192: {  	s0 =	sadd.s32 @!p0 $0x100000, s0  }
0x193: {  	[sflag:s0] =	ssyncadd.tile.s32 @!p0 $0x1;
	_ =	shalt  }
.Lfunc_end2:
_tile_overlayer_lowered:
.L_overlay_start_2:
0x194: {  	(tag) =	ssettag $0x2  }
0x195: {  	s0 =	rddreg [dreg:$0x0];
	s2 =	stileid.u32  }
0x196: {  	s1 =	rddreg [dreg:$0x1];
	p0 =	sne.s32 s2, $0x0  }
0x197: {  	s3 =	rddreg [dreg:$0x2];
	[bflag:$0x3] =	sbarrier.arrive $0xFFFF;
	s2 =	simm.s32 @!p0 $0x1C02  }
0x198: {  	[timem:s3], [sflag:s2] =	dma.local @!p0 [hbm:s0], s1  }
0x199: {  	s0 =	simm.s32 @!p0 $0x2  }
0x19a: {  	_ =	swait.ge @!p0 [sflag:s0], s1  }
0x19b: {  	s1 =	ssub.s32 @!p0 $0x0, s1;
	[sflag:s0] =	ssyncset.done @!p0 $0x0  }
0x19c: {  	[sflag:s0] =	ssyncadd.s32 @!p0 s1  }
0x19d: {  	[bflag:$0x3] =	sbarrier.arrive $0xFFFF  }
0x19e: {  	_ =	shalt  }

</sc_bundles>
